<compile_context>
chip_gen: v7x
topology: tpu7x:2x2x1
jax: 0.10.2.dev20260603
libtpu: 0.0.44.dev20260713+nightly
codegen_flags: <defaults>
</compile_context>

<pallas_src>
import functools

import jax
import jax.numpy as jnp
from jax import lax
from jax.experimental import pallas as pl
from jax.experimental.pallas import tpu as pltpu
from jax.experimental.pallas import tpu_sc as plsc

N_NODES = 10000
N_EDGES = 320000
D = 128

NC = 2
NS = 16
NW = NC * NS

T = 128
EP = 327680
EPT = EP // NW
NT = EPT // T
NPAD = 10112
ROWS_PER_TILE = NPAD // NS


def _sc_aggregate(src, dst, x, zeros):
    mesh = plsc.VectorSubcoreMesh(core_axis_name="c", subcore_axis_name="s")

    @functools.partial(
        pl.kernel,
        mesh=mesh,
        out_type=jax.ShapeDtypeStruct((NC, NPAD, D), jnp.float32),
        scratch_types=[
            pltpu.VMEM((2, T), jnp.int32),
            pltpu.VMEM((2, T), jnp.int32),
            pltpu.VMEM((2, T, D), jnp.float32),
            pltpu.VMEM_SHARED((NPAD, D), jnp.float32),
            pltpu.SemaphoreType.DMA,
            pltpu.SemaphoreType.DMA,
        ],
    )
    def agg(src_hbm, dst_hbm, x_hbm, z_hbm, out_hbm, sidx, didx, rows, aggr,
            sem0, sem1):
        c = lax.axis_index("c")
        s = lax.axis_index("s")
        wid = s * NC + c
        base = wid * EPT
        sems = (sem0, sem1)

        @pl.when(s == 0)
        def _():
            pltpu.sync_copy(z_hbm, aggr)

        plsc.subcore_barrier()

        def fill(b, t):
            off = base + t * T
            pltpu.sync_copy(src_hbm.at[pl.ds(off, T)], sidx.at[b])
            pltpu.sync_copy(dst_hbm.at[pl.ds(off, T)], didx.at[b])
            pltpu.async_copy(x_hbm.at[sidx.at[b]], rows.at[b], sems[b])

        def drain_and_scatter(b):
            pltpu.make_async_copy(x_hbm.at[sidx.at[b]], rows.at[b],
                                  sems[b]).wait()
            pltpu.sync_copy(rows.at[b], aggr.at[didx.at[b]], add=True)

        for b in range(2):
            fill(b, b)

        def body(i, carry):
            t0 = i * 2
            for b in range(2):
                drain_and_scatter(b)
                fill(b, t0 + 2 + b)
            return carry

        lax.fori_loop(0, NT // 2 - 1, body, 0)
        for b in range(2):
            drain_and_scatter(b)

        plsc.subcore_barrier()
        r0 = s * ROWS_PER_TILE
        pltpu.sync_copy(aggr.at[pl.ds(r0, ROWS_PER_TILE)],
                        out_hbm.at[c].at[pl.ds(r0, ROWS_PER_TILE)])

    return agg(src, dst, x, zeros)


BLK = 400


def _mlp_body(x_ref, p_ref, w1_ref, b1_ref, w2_ref, b2_ref, g_ref, be_ref,
              wr_ref, br_ref, o_ref):
    xb = x_ref[...]
    h = xb + p_ref[0] + p_ref[1]
    h = lax.dot_general(h, w1_ref[...], (((1,), (1,)), ((), ())),
                        preferred_element_type=jnp.float32,
                        precision=lax.Precision.HIGHEST)
    h = jnp.maximum(h + b1_ref[...], 0.0)
    h = lax.dot_general(h, w2_ref[...], (((1,), (1,)), ((), ())),
                        preferred_element_type=jnp.float32,
                        precision=lax.Precision.HIGHEST) + b2_ref[...]
    mean = jnp.mean(h, axis=1, keepdims=True)
    hc = h - mean
    var = jnp.mean(hc * hc, axis=1, keepdims=True)
    hn = hc * lax.rsqrt(var + 1e-5) * g_ref[...] + be_ref[...]
    res = lax.dot_general(xb, wr_ref[...], (((1,), (1,)), ((), ())),
                          preferred_element_type=jnp.float32,
                          precision=lax.Precision.HIGHEST) + br_ref[...]
    o_ref[...] = hn + res


def _tc_mlp(x, partials, W1, b1, W2, b2, gamma, beta, Wres, bres):
    grid = (N_NODES // BLK,)
    full = lambda shape: pl.BlockSpec(shape, lambda i: (0,) * len(shape))
    return pl.pallas_call(
        _mlp_body,
        grid=grid,
        in_specs=[
            pl.BlockSpec((BLK, D), lambda i: (i, 0)),
            pl.BlockSpec((NC, BLK, D), lambda i: (0, i, 0)),
            full((D, D)), full((1, D)),
            full((D, D)), full((1, D)),
            full((1, D)), full((1, D)),
            full((D, D)), full((1, D)),
        ],
        out_specs=pl.BlockSpec((BLK, D), lambda i: (i, 0)),
        out_shape=jax.ShapeDtypeStruct((N_NODES, D), jnp.float32),
    )(x, partials, W1, b1, W2, b2, gamma, beta, Wres, bres)


def kernel(x, edge_index, W1, b1, W2, b2, gamma, beta, Wres, bres):
    src = edge_index[0].astype(jnp.int32)
    dst = edge_index[1].astype(jnp.int32)
    pad = EP - N_EDGES
    src = jnp.concatenate([src, jnp.zeros((pad,), jnp.int32)])
    dst = jnp.concatenate([dst, jnp.full((pad,), N_NODES, jnp.int32)])
    zeros = jnp.zeros((NPAD, D), jnp.float32)
    partials = _sc_aggregate(src, dst, x, zeros)
    row = lambda v: v.reshape(1, D)
    return _tc_mlp(x, partials, W1, row(b1), W2, row(b2), row(gamma),
                   row(beta), Wres, row(bres))

# --- scband reference (transcript-rebuilt; emitter-appended) ---
"""Pipeline reference for scband-ginblock-6476810682403 (READ-ONLY COPY).

The authoritative reference and input builder live on the scoring server;
editing this copy changes nothing except your own understanding.
"""

import jax, jax.numpy as jnp
import numpy as np

N_NODES = 10000
N_EDGES = 320000
D_IN = 128
HIDDEN = 128


def setup_inputs(seed: int = 0) -> dict:
    key = jax.random.key(seed)
    ks = jax.random.split(key, 10)
    x = jax.random.normal(ks[0], (N_NODES, D_IN), dtype=jnp.float32)
    edge_index = jax.random.randint(ks[1], (2, N_EDGES), 0, N_NODES, dtype=jnp.int64)
    s1 = 1.0 / np.sqrt(D_IN)
    s2 = 1.0 / np.sqrt(HIDDEN)
    W1 = jax.random.uniform(ks[2], (HIDDEN, D_IN), jnp.float32, -s1, s1)
    b1 = jax.random.uniform(ks[3], (HIDDEN,), jnp.float32, -s1, s1)
    W2 = jax.random.uniform(ks[4], (HIDDEN, HIDDEN), jnp.float32, -s2, s2)
    b2 = jax.random.uniform(ks[5], (HIDDEN,), jnp.float32, -s2, s2)
    gamma = jnp.ones((HIDDEN,), jnp.float32)
    beta = jnp.zeros((HIDDEN,), jnp.float32)
    Wres = jax.random.uniform(ks[6], (HIDDEN, D_IN), jnp.float32, -s1, s1)
    bres = jax.random.uniform(ks[7], (HIDDEN,), jnp.float32, -s1, s1)
    return {"x": x, "edge_index": edge_index, "W1": W1, "b1": b1, "W2": W2, "b2": b2, "gamma": gamma, "beta": beta, "Wres": Wres, "bres": bres}


def reference(x, edge_index, W1, b1, W2, b2, gamma, beta, Wres, bres):
    # GINConv: h = MLP((1+eps)*x + sum_{j in N(i)} x_j), eps=0 default
    src = edge_index[0]
    dst = edge_index[1]
    msgs = jnp.take(x, src, axis=0)
    aggr = jax.ops.segment_sum(msgs, dst, num_segments=x.shape[0])
    h = x + aggr
    # MLP: Linear -> ReLU -> Linear
    h = jnp.maximum(h @ W1.T + b1, 0.0)
    h = h @ W2.T + b2
    # LayerNorm
    mean = jnp.mean(h, axis=-1, keepdims=True)
    var = jnp.var(h, axis=-1, keepdims=True)
    h = (h - mean) / jnp.sqrt(var + 1e-5) * gamma + beta
    # Dropout p=0 -> identity; residual projection
    out = h + (x @ Wres.T + bres)
    return out

if __name__ == "__main__":
    import jax
    _d = setup_inputs()
    print(jax.jit(kernel)(*tuple(_d.values())))

</pallas_src>

<mosaic_0001>
#map = affine_map<(d0, d1) -> (0)>
#map1 = affine_map<(d0, d1) -> (0, 0)>
#map2 = affine_map<(d0, d1) -> (0, 0, 0)>
module attributes {stable_mosaic.version = 14 : i64} {
  func.func @agg(%arg0: i32, %arg1: i32, %arg2: memref<327680xi32, #tpu.memory_space<hbm>>, %arg3: memref<327680xi32, #tpu.memory_space<hbm>>, %arg4: memref<10000x128xf32, #tpu.memory_space<hbm>>, %arg5: memref<10112x128xf32, #tpu.memory_space<hbm>>, %arg6: memref<2x10112x128xf32, #tpu.memory_space<hbm>>, %arg7: memref<2x128xi32, #tpu.memory_space<vmem>>, %arg8: memref<2x128xi32, #tpu.memory_space<vmem>>, %arg9: memref<2x128x128xf32, #tpu.memory_space<vmem>>, %arg10: memref<10112x128xf32, #tpu.memory_space<vmem_shared>>, %arg11: memref<!tpu.dma_semaphore, #tpu.memory_space<semaphore_mem>>, %arg12: memref<!tpu.dma_semaphore, #tpu.memory_space<semaphore_mem>>) attributes {dimension_semantics = [#tpu.dimension_semantics<core_parallel>, #tpu.dimension_semantics<subcore_parallel>], iteration_bounds = array<i64: 2, 16>, scalar_prefetch = 0 : i64, scratch_operands = 6 : i64, tpu.core_type = #tpu.core_type<sc_vector_subcore>, window_params = [{transform_indices = #map}, {transform_indices = #map}, {transform_indices = #map1}, {transform_indices = #map1}, {transform_indices = #map2}]} {
    %mul3A = arith.constant 2 : i32
    %mul3A_0 = arith.muli %arg1, %mul3A : i32
    %add3A = arith.addi %mul3A_0, %arg0 : i32
    %mul3A_1 = arith.constant 10240 : i32
    %mul3A_2 = arith.muli %add3A, %mul3A_1 : i32
    %eq3A = arith.constant 0 : i32
    %eq3A_3 = arith.cmpi eq, %arg1, %eq3A : i32
    %convert_element_type3A = arith.extui %eq3A_3 : i1 to i32
    %cond3A = arith.constant 0 : i32
    %cond3A_4 = arith.cmpi ne, %convert_element_type3A, %cond3A : i32
    scf.if %cond3A_4 {
      "tpu.region"() ({
        %run_scoped3A_70 = tpu.sem_alloc : memref<!tpu.dma_semaphore, #tpu.memory_space<semaphore_mem>>
        tpu.enqueue_dma source(%arg5 : memref<10112x128xf32, #tpu.memory_space<hbm>>) target(%arg10 : memref<10112x128xf32, #tpu.memory_space<vmem_shared>>) target_semaphore(%run_scoped3A_70 : memref<!tpu.dma_semaphore, #tpu.memory_space<semaphore_mem>>)
        tpu.wait_dma2 semaphore(%run_scoped3A_70 : memref<!tpu.dma_semaphore, #tpu.memory_space<semaphore_mem>>) src(%arg5 : memref<10112x128xf32, #tpu.memory_space<hbm>>) dst(%arg10 : memref<10112x128xf32, #tpu.memory_space<vmem_shared>>)
        tpu.yield
      }) : () -> ()
    } else {
    }
    %barrier3A = arith.constant 0 : index
    tpu.barrier barrier_id(%barrier3A)
    %add3A_5 = arith.constant 0 : i32
    %add3A_6 = arith.addi %mul3A_2, %add3A_5 : i32
    %run_scoped3A = arith.constant 0 : i32
    "tpu.region"() ({
      %run_scoped3A_70 = tpu.sem_alloc : memref<!tpu.dma_semaphore, #tpu.memory_space<semaphore_mem>>
      %dma_start3A_71 = arith.constant 0 : i32
      %dma_start3A_72 = tpu.memref_slice %arg7[%run_scoped3A, %dma_start3A_71] : memref<2x128xi32, #tpu.memory_space<vmem>> -> memref<1x128xi32, #tpu.memory_space<vmem>>
      %dma_start3A_73 = tpu.memref_squeeze %dma_start3A_72 : memref<1x128xi32, #tpu.memory_space<vmem>> -> memref<128xi32, #tpu.memory_space<vmem>>
      %dma_start3A_74 = tpu.memref_slice %arg2[%add3A_6] : memref<327680xi32, #tpu.memory_space<hbm>> -> memref<128xi32, #tpu.memory_space<hbm>>
      %dma_start3A_75 = arith.constant 0 : i32
      %dma_start3A_76 = tpu.memref_slice %arg7[%run_scoped3A, %dma_start3A_75] : memref<2x128xi32, #tpu.memory_space<vmem>> -> memref<1x128xi32, #tpu.memory_space<vmem>>
      %dma_start3A_77 = tpu.memref_squeeze %dma_start3A_76 : memref<1x128xi32, #tpu.memory_space<vmem>> -> memref<128xi32, #tpu.memory_space<vmem>>
      %dma_start3A_78 = tpu.memref_slice %arg2[%add3A_6] : memref<327680xi32, #tpu.memory_space<hbm>> -> memref<128xi32, #tpu.memory_space<hbm>>
      tpu.enqueue_dma source(%dma_start3A_78 : memref<128xi32, #tpu.memory_space<hbm>>) target(%dma_start3A_77 : memref<128xi32, #tpu.memory_space<vmem>>) target_semaphore(%run_scoped3A_70 : memref<!tpu.dma_semaphore, #tpu.memory_space<semaphore_mem>>)
      %dma_wait3A_79 = arith.constant 0 : i32
      %dma_wait3A_80 = tpu.memref_slice %arg7[%run_scoped3A, %dma_wait3A_79] : memref<2x128xi32, #tpu.memory_space<vmem>> -> memref<1x128xi32, #tpu.memory_space<vmem>>
      %dma_wait3A_81 = tpu.memref_squeeze %dma_wait3A_80 : memref<1x128xi32, #tpu.memory_space<vmem>> -> memref<128xi32, #tpu.memory_space<vmem>>
      %dma_wait3A_82 = tpu.memref_slice %arg2[%add3A_6] : memref<327680xi32, #tpu.memory_space<hbm>> -> memref<128xi32, #tpu.memory_space<hbm>>
      %dma_wait3A_83 = arith.constant 0 : i32
      %dma_wait3A_84 = tpu.memref_slice %arg7[%run_scoped3A, %dma_wait3A_83] : memref<2x128xi32, #tpu.memory_space<vmem>> -> memref<1x128xi32, #tpu.memory_space<vmem>>
      %dma_wait3A_85 = tpu.memref_squeeze %dma_wait3A_84 : memref<1x128xi32, #tpu.memory_space<vmem>> -> memref<128xi32, #tpu.memory_space<vmem>>
      %dma_wait3A_86 = tpu.memref_slice %arg2[%add3A_6] : memref<327680xi32, #tpu.memory_space<hbm>> -> memref<128xi32, #tpu.memory_space<hbm>>
      tpu.wait_dma2 semaphore(%run_scoped3A_70 : memref<!tpu.dma_semaphore, #tpu.memory_space<semaphore_mem>>) src(%dma_wait3A_86 : memref<128xi32, #tpu.memory_space<hbm>>) dst(%dma_wait3A_85 : memref<128xi32, #tpu.memory_space<vmem>>)
      tpu.yield
    }) : () -> ()
    %run_scoped3A_7 = arith.constant 0 : i32
    "tpu.region"() ({
      %run_scoped3A_70 = tpu.sem_alloc : memref<!tpu.dma_semaphore, #tpu.memory_space<semaphore_mem>>
      %dma_start3A_71 = arith.constant 0 : i32
      %dma_start3A_72 = tpu.memref_slice %arg8[%run_scoped3A_7, %dma_start3A_71] : memref<2x128xi32, #tpu.memory_space<vmem>> -> memref<1x128xi32, #tpu.memory_space<vmem>>
      %dma_start3A_73 = tpu.memref_squeeze %dma_start3A_72 : memref<1x128xi32, #tpu.memory_space<vmem>> -> memref<128xi32, #tpu.memory_space<vmem>>
      %dma_start3A_74 = tpu.memref_slice %arg3[%add3A_6] : memref<327680xi32, #tpu.memory_space<hbm>> -> memref<128xi32, #tpu.memory_space<hbm>>
      %dma_start3A_75 = arith.constant 0 : i32
      %dma_start3A_76 = tpu.memref_slice %arg8[%run_scoped3A_7, %dma_start3A_75] : memref<2x128xi32, #tpu.memory_space<vmem>> -> memref<1x128xi32, #tpu.memory_space<vmem>>
      %dma_start3A_77 = tpu.memref_squeeze %dma_start3A_76 : memref<1x128xi32, #tpu.memory_space<vmem>> -> memref<128xi32, #tpu.memory_space<vmem>>
      %dma_start3A_78 = tpu.memref_slice %arg3[%add3A_6] : memref<327680xi32, #tpu.memory_space<hbm>> -> memref<128xi32, #tpu.memory_space<hbm>>
      tpu.enqueue_dma source(%dma_start3A_78 : memref<128xi32, #tpu.memory_space<hbm>>) target(%dma_start3A_77 : memref<128xi32, #tpu.memory_space<vmem>>) target_semaphore(%run_scoped3A_70 : memref<!tpu.dma_semaphore, #tpu.memory_space<semaphore_mem>>)
      %dma_wait3A_79 = arith.constant 0 : i32
      %dma_wait3A_80 = tpu.memref_slice %arg8[%run_scoped3A_7, %dma_wait3A_79] : memref<2x128xi32, #tpu.memory_space<vmem>> -> memref<1x128xi32, #tpu.memory_space<vmem>>
      %dma_wait3A_81 = tpu.memref_squeeze %dma_wait3A_80 : memref<1x128xi32, #tpu.memory_space<vmem>> -> memref<128xi32, #tpu.memory_space<vmem>>
      %dma_wait3A_82 = tpu.memref_slice %arg3[%add3A_6] : memref<327680xi32, #tpu.memory_space<hbm>> -> memref<128xi32, #tpu.memory_space<hbm>>
      %dma_wait3A_83 = arith.constant 0 : i32
      %dma_wait3A_84 = tpu.memref_slice %arg8[%run_scoped3A_7, %dma_wait3A_83] : memref<2x128xi32, #tpu.memory_space<vmem>> -> memref<1x128xi32, #tpu.memory_space<vmem>>
      %dma_wait3A_85 = tpu.memref_squeeze %dma_wait3A_84 : memref<1x128xi32, #tpu.memory_space<vmem>> -> memref<128xi32, #tpu.memory_space<vmem>>
      %dma_wait3A_86 = tpu.memref_slice %arg3[%add3A_6] : memref<327680xi32, #tpu.memory_space<hbm>> -> memref<128xi32, #tpu.memory_space<hbm>>
      tpu.wait_dma2 semaphore(%run_scoped3A_70 : memref<!tpu.dma_semaphore, #tpu.memory_space<semaphore_mem>>) src(%dma_wait3A_86 : memref<128xi32, #tpu.memory_space<hbm>>) dst(%dma_wait3A_85 : memref<128xi32, #tpu.memory_space<vmem>>)
      tpu.yield
    }) : () -> ()
    %dma_start3A = arith.constant 0 : i32
    %dma_start3A_8 = arith.constant 0 : i32
    %dma_start3A_9 = arith.constant 0 : i32
    %dma_start3A_10 = arith.constant 0 : i32
    %dma_start3A_11 = tpu.memref_slice %arg9[%dma_start3A_8, %dma_start3A_9, %dma_start3A_10] : memref<2x128x128xf32, #tpu.memory_space<vmem>> -> memref<1x128x128xf32, #tpu.memory_space<vmem>>
    %dma_start3A_12 = tpu.memref_squeeze %dma_start3A_11 : memref<1x128x128xf32, #tpu.memory_space<vmem>> -> memref<128x128xf32, #tpu.memory_space<vmem>>
    %dma_start3A_13 = arith.constant 0 : i32
    %dma_start3A_14 = tpu.memref_slice %arg7[%dma_start3A, %dma_start3A_13] : memref<2x128xi32, #tpu.memory_space<vmem>> -> memref<1x128xi32, #tpu.memory_space<vmem>>
    %dma_start3A_15 = tpu.memref_squeeze %dma_start3A_14 : memref<1x128xi32, #tpu.memory_space<vmem>> -> memref<128xi32, #tpu.memory_space<vmem>>
    %dma_start3A_16 = arith.constant 0 : i32
    %dma_start3A_17 = arith.constant 0 : i32
    %dma_start3A_18 = tpu.memref_slice %arg4[%dma_start3A_16, %dma_start3A_17] : memref<10000x128xf32, #tpu.memory_space<hbm>> -> memref<10000x128xf32, #tpu.memory_space<hbm>>
    tpu.enqueue_indirect_dma source(%dma_start3A_18 : memref<10000x128xf32, #tpu.memory_space<hbm>>) target(%dma_start3A_12 : memref<128x128xf32, #tpu.memory_space<vmem>>) offsets(%dma_start3A_15 : memref<128xi32, #tpu.memory_space<vmem>>) semaphore(%arg11 : memref<!tpu.dma_semaphore, #tpu.memory_space<semaphore_mem>>)
    %add3A_19 = arith.constant 128 : i32
    %add3A_20 = arith.addi %mul3A_2, %add3A_19 : i32
    %run_scoped3A_21 = arith.constant 1 : i32
    "tpu.region"() ({
      %run_scoped3A_70 = tpu.sem_alloc : memref<!tpu.dma_semaphore, #tpu.memory_space<semaphore_mem>>
      %dma_start3A_71 = arith.constant 0 : i32
      %dma_start3A_72 = tpu.memref_slice %arg7[%run_scoped3A_21, %dma_start3A_71] : memref<2x128xi32, #tpu.memory_space<vmem>> -> memref<1x128xi32, #tpu.memory_space<vmem>>
      %dma_start3A_73 = tpu.memref_squeeze %dma_start3A_72 : memref<1x128xi32, #tpu.memory_space<vmem>> -> memref<128xi32, #tpu.memory_space<vmem>>
      %dma_start3A_74 = tpu.memref_slice %arg2[%add3A_20] : memref<327680xi32, #tpu.memory_space<hbm>> -> memref<128xi32, #tpu.memory_space<hbm>>
      %dma_start3A_75 = arith.constant 0 : i32
      %dma_start3A_76 = tpu.memref_slice %arg7[%run_scoped3A_21, %dma_start3A_75] : memref<2x128xi32, #tpu.memory_space<vmem>> -> memref<1x128xi32, #tpu.memory_space<vmem>>
      %dma_start3A_77 = tpu.memref_squeeze %dma_start3A_76 : memref<1x128xi32, #tpu.memory_space<vmem>> -> memref<128xi32, #tpu.memory_space<vmem>>
      %dma_start3A_78 = tpu.memref_slice %arg2[%add3A_20] : memref<327680xi32, #tpu.memory_space<hbm>> -> memref<128xi32, #tpu.memory_space<hbm>>
      tpu.enqueue_dma source(%dma_start3A_78 : memref<128xi32, #tpu.memory_space<hbm>>) target(%dma_start3A_77 : memref<128xi32, #tpu.memory_space<vmem>>) target_semaphore(%run_scoped3A_70 : memref<!tpu.dma_semaphore, #tpu.memory_space<semaphore_mem>>)
      %dma_wait3A_79 = arith.constant 0 : i32
      %dma_wait3A_80 = tpu.memref_slice %arg7[%run_scoped3A_21, %dma_wait3A_79] : memref<2x128xi32, #tpu.memory_space<vmem>> -> memref<1x128xi32, #tpu.memory_space<vmem>>
      %dma_wait3A_81 = tpu.memref_squeeze %dma_wait3A_80 : memref<1x128xi32, #tpu.memory_space<vmem>> -> memref<128xi32, #tpu.memory_space<vmem>>
      %dma_wait3A_82 = tpu.memref_slice %arg2[%add3A_20] : memref<327680xi32, #tpu.memory_space<hbm>> -> memref<128xi32, #tpu.memory_space<hbm>>
      %dma_wait3A_83 = arith.constant 0 : i32
      %dma_wait3A_84 = tpu.memref_slice %arg7[%run_scoped3A_21, %dma_wait3A_83] : memref<2x128xi32, #tpu.memory_space<vmem>> -> memref<1x128xi32, #tpu.memory_space<vmem>>
      %dma_wait3A_85 = tpu.memref_squeeze %dma_wait3A_84 : memref<1x128xi32, #tpu.memory_space<vmem>> -> memref<128xi32, #tpu.memory_space<vmem>>
      %dma_wait3A_86 = tpu.memref_slice %arg2[%add3A_20] : memref<327680xi32, #tpu.memory_space<hbm>> -> memref<128xi32, #tpu.memory_space<hbm>>
      tpu.wait_dma2 semaphore(%run_scoped3A_70 : memref<!tpu.dma_semaphore, #tpu.memory_space<semaphore_mem>>) src(%dma_wait3A_86 : memref<128xi32, #tpu.memory_space<hbm>>) dst(%dma_wait3A_85 : memref<128xi32, #tpu.memory_space<vmem>>)
      tpu.yield
    }) : () -> ()
    %run_scoped3A_22 = arith.constant 1 : i32
    "tpu.region"() ({
      %run_scoped3A_70 = tpu.sem_alloc : memref<!tpu.dma_semaphore, #tpu.memory_space<semaphore_mem>>
      %dma_start3A_71 = arith.constant 0 : i32
      %dma_start3A_72 = tpu.memref_slice %arg8[%run_scoped3A_22, %dma_start3A_71] : memref<2x128xi32, #tpu.memory_space<vmem>> -> memref<1x128xi32, #tpu.memory_space<vmem>>
      %dma_start3A_73 = tpu.memref_squeeze %dma_start3A_72 : memref<1x128xi32, #tpu.memory_space<vmem>> -> memref<128xi32, #tpu.memory_space<vmem>>
      %dma_start3A_74 = tpu.memref_slice %arg3[%add3A_20] : memref<327680xi32, #tpu.memory_space<hbm>> -> memref<128xi32, #tpu.memory_space<hbm>>
      %dma_start3A_75 = arith.constant 0 : i32
      %dma_start3A_76 = tpu.memref_slice %arg8[%run_scoped3A_22, %dma_start3A_75] : memref<2x128xi32, #tpu.memory_space<vmem>> -> memref<1x128xi32, #tpu.memory_space<vmem>>
      %dma_start3A_77 = tpu.memref_squeeze %dma_start3A_76 : memref<1x128xi32, #tpu.memory_space<vmem>> -> memref<128xi32, #tpu.memory_space<vmem>>
      %dma_start3A_78 = tpu.memref_slice %arg3[%add3A_20] : memref<327680xi32, #tpu.memory_space<hbm>> -> memref<128xi32, #tpu.memory_space<hbm>>
      tpu.enqueue_dma source(%dma_start3A_78 : memref<128xi32, #tpu.memory_space<hbm>>) target(%dma_start3A_77 : memref<128xi32, #tpu.memory_space<vmem>>) target_semaphore(%run_scoped3A_70 : memref<!tpu.dma_semaphore, #tpu.memory_space<semaphore_mem>>)
      %dma_wait3A_79 = arith.constant 0 : i32
      %dma_wait3A_80 = tpu.memref_slice %arg8[%run_scoped3A_22, %dma_wait3A_79] : memref<2x128xi32, #tpu.memory_space<vmem>> -> memref<1x128xi32, #tpu.memory_space<vmem>>
      %dma_wait3A_81 = tpu.memref_squeeze %dma_wait3A_80 : memref<1x128xi32, #tpu.memory_space<vmem>> -> memref<128xi32, #tpu.memory_space<vmem>>
      %dma_wait3A_82 = tpu.memref_slice %arg3[%add3A_20] : memref<327680xi32, #tpu.memory_space<hbm>> -> memref<128xi32, #tpu.memory_space<hbm>>
      %dma_wait3A_83 = arith.constant 0 : i32
      %dma_wait3A_84 = tpu.memref_slice %arg8[%run_scoped3A_22, %dma_wait3A_83] : memref<2x128xi32, #tpu.memory_space<vmem>> -> memref<1x128xi32, #tpu.memory_space<vmem>>
      %dma_wait3A_85 = tpu.memref_squeeze %dma_wait3A_84 : memref<1x128xi32, #tpu.memory_space<vmem>> -> memref<128xi32, #tpu.memory_space<vmem>>
      %dma_wait3A_86 = tpu.memref_slice %arg3[%add3A_20] : memref<327680xi32, #tpu.memory_space<hbm>> -> memref<128xi32, #tpu.memory_space<hbm>>
      tpu.wait_dma2 semaphore(%run_scoped3A_70 : memref<!tpu.dma_semaphore, #tpu.memory_space<semaphore_mem>>) src(%dma_wait3A_86 : memref<128xi32, #tpu.memory_space<hbm>>) dst(%dma_wait3A_85 : memref<128xi32, #tpu.memory_space<vmem>>)
      tpu.yield
    }) : () -> ()
    %dma_start3A_23 = arith.constant 1 : i32
    %dma_start3A_24 = arith.constant 1 : i32
    %dma_start3A_25 = arith.constant 0 : i32
    %dma_start3A_26 = arith.constant 0 : i32
    %dma_start3A_27 = tpu.memref_slice %arg9[%dma_start3A_24, %dma_start3A_25, %dma_start3A_26] : memref<2x128x128xf32, #tpu.memory_space<vmem>> -> memref<1x128x128xf32, #tpu.memory_space<vmem>>
    %dma_start3A_28 = tpu.memref_squeeze %dma_start3A_27 : memref<1x128x128xf32, #tpu.memory_space<vmem>> -> memref<128x128xf32, #tpu.memory_space<vmem>>
    %dma_start3A_29 = arith.constant 0 : i32
    %dma_start3A_30 = tpu.memref_slice %arg7[%dma_start3A_23, %dma_start3A_29] : memref<2x128xi32, #tpu.memory_space<vmem>> -> memref<1x128xi32, #tpu.memory_space<vmem>>
    %dma_start3A_31 = tpu.memref_squeeze %dma_start3A_30 : memref<1x128xi32, #tpu.memory_space<vmem>> -> memref<128xi32, #tpu.memory_space<vmem>>
    %dma_start3A_32 = arith.constant 0 : i32
    %dma_start3A_33 = arith.constant 0 : i32
    %dma_start3A_34 = tpu.memref_slice %arg4[%dma_start3A_32, %dma_start3A_33] : memref<10000x128xf32, #tpu.memory_space<hbm>> -> memref<10000x128xf32, #tpu.memory_space<hbm>>
    tpu.enqueue_indirect_dma source(%dma_start3A_34 : memref<10000x128xf32, #tpu.memory_space<hbm>>) target(%dma_start3A_28 : memref<128x128xf32, #tpu.memory_space<vmem>>) offsets(%dma_start3A_31 : memref<128xi32, #tpu.memory_space<vmem>>) semaphore(%arg12 : memref<!tpu.dma_semaphore, #tpu.memory_space<semaphore_mem>>)
    %scan3A = arith.constant 0 : i32
    %scan3A_35 = arith.constant 0 : i32
    %scan3A_36 = arith.constant 39 : i32
    %scan3A_37 = arith.addi %scan3A_35, %scan3A_36 : i32
    %scan3A_38 = arith.constant 1 : i32
    scf.for %scan3A_70 = %scan3A_35 to %scan3A_37 step %scan3A_38  : i32 {
      %mul3A_71 = arith.constant 2 : i32
      %mul3A_72 = arith.muli %scan3A_70, %mul3A_71 : i32
      %dma_wait3A_73 = arith.constant 0 : i32
      %dma_wait3A_74 = arith.constant 0 : i32
      %dma_wait3A_75 = arith.constant 0 : i32
      %dma_wait3A_76 = arith.constant 0 : i32
      %dma_wait3A_77 = tpu.memref_slice %arg9[%dma_wait3A_74, %dma_wait3A_75, %dma_wait3A_76] : memref<2x128x128xf32, #tpu.memory_space<vmem>> -> memref<1x128x128xf32, #tpu.memory_space<vmem>>
      %dma_wait3A_78 = tpu.memref_squeeze %dma_wait3A_77 : memref<1x128x128xf32, #tpu.memory_space<vmem>> -> memref<128x128xf32, #tpu.memory_space<vmem>>
      %dma_wait3A_79 = arith.constant 0 : i32
      %dma_wait3A_80 = tpu.memref_slice %arg7[%dma_wait3A_73, %dma_wait3A_79] : memref<2x128xi32, #tpu.memory_space<vmem>> -> memref<1x128xi32, #tpu.memory_space<vmem>>
      %dma_wait3A_81 = tpu.memref_squeeze %dma_wait3A_80 : memref<1x128xi32, #tpu.memory_space<vmem>> -> memref<128xi32, #tpu.memory_space<vmem>>
      %dma_wait3A_82 = arith.constant 0 : i32
      %dma_wait3A_83 = arith.constant 0 : i32
      %dma_wait3A_84 = tpu.memref_slice %arg4[%dma_wait3A_82, %dma_wait3A_83] : memref<10000x128xf32, #tpu.memory_space<hbm>> -> memref<10000x128xf32, #tpu.memory_space<hbm>>
      tpu.wait_indirect_dma semaphore(%arg11 : memref<!tpu.dma_semaphore, #tpu.memory_space<semaphore_mem>>) src(%dma_wait3A_84 : memref<10000x128xf32, #tpu.memory_space<hbm>>) dst(%dma_wait3A_78 : memref<128x128xf32, #tpu.memory_space<vmem>>)
      %run_scoped3A_85 = arith.constant 0 : i32
      %run_scoped3A_86 = arith.constant 0 : i32
      "tpu.region"() ({
        %run_scoped3A_143 = tpu.sem_alloc : memref<!tpu.dma_semaphore, #tpu.memory_space<semaphore_mem>>
        %dma_start3A_144 = arith.constant 0 : i32
        %dma_start3A_145 = arith.constant 0 : i32
        %dma_start3A_146 = tpu.memref_slice %arg9[%run_scoped3A_85, %dma_start3A_144, %dma_start3A_145] : memref<2x128x128xf32, #tpu.memory_space<vmem>> -> memref<1x128x128xf32, #tpu.memory_space<vmem>>
        %dma_start3A_147 = tpu.memref_squeeze %dma_start3A_146 : memref<1x128x128xf32, #tpu.memory_space<vmem>> -> memref<128x128xf32, #tpu.memory_space<vmem>>
        %dma_start3A_148 = arith.constant 0 : i32
        %dma_start3A_149 = tpu.memref_slice %arg8[%run_scoped3A_86, %dma_start3A_148] : memref<2x128xi32, #tpu.memory_space<vmem>> -> memref<1x128xi32, #tpu.memory_space<vmem>>
        %dma_start3A_150 = tpu.memref_squeeze %dma_start3A_149 : memref<1x128xi32, #tpu.memory_space<vmem>> -> memref<128xi32, #tpu.memory_space<vmem>>
        %dma_start3A_151 = arith.constant 0 : i32
        %dma_start3A_152 = arith.constant 0 : i32
        %dma_start3A_153 = tpu.memref_slice %arg10[%dma_start3A_151, %dma_start3A_152] : memref<10112x128xf32, #tpu.memory_space<vmem_shared>> -> memref<10112x128xf32, #tpu.memory_space<vmem_shared>>
        tpu.enqueue_indirect_dma source(%dma_start3A_147 : memref<128x128xf32, #tpu.memory_space<vmem>>) target(%dma_start3A_153 : memref<10112x128xf32, #tpu.memory_space<vmem_shared>>) offsets(%dma_start3A_150 : memref<128xi32, #tpu.memory_space<vmem>>) semaphore(%run_scoped3A_143 : memref<!tpu.dma_semaphore, #tpu.memory_space<semaphore_mem>>) {add = true}
        %dma_wait3A_154 = arith.constant 0 : i32
        %dma_wait3A_155 = arith.constant 0 : i32
        %dma_wait3A_156 = tpu.memref_slice %arg9[%run_scoped3A_85, %dma_wait3A_154, %dma_wait3A_155] : memref<2x128x128xf32, #tpu.memory_space<vmem>> -> memref<1x128x128xf32, #tpu.memory_space<vmem>>
        %dma_wait3A_157 = tpu.memref_squeeze %dma_wait3A_156 : memref<1x128x128xf32, #tpu.memory_space<vmem>> -> memref<128x128xf32, #tpu.memory_space<vmem>>
        %dma_wait3A_158 = arith.constant 0 : i32
        %dma_wait3A_159 = tpu.memref_slice %arg8[%run_scoped3A_86, %dma_wait3A_158] : memref<2x128xi32, #tpu.memory_space<vmem>> -> memref<1x128xi32, #tpu.memory_space<vmem>>
        %dma_wait3A_160 = tpu.memref_squeeze %dma_wait3A_159 : memref<1x128xi32, #tpu.memory_space<vmem>> -> memref<128xi32, #tpu.memory_space<vmem>>
        %dma_wait3A_161 = arith.constant 0 : i32
        %dma_wait3A_162 = arith.constant 0 : i32
        %dma_wait3A_163 = tpu.memref_slice %arg10[%dma_wait3A_161, %dma_wait3A_162] : memref<10112x128xf32, #tpu.memory_space<vmem_shared>> -> memref<10112x128xf32, #tpu.memory_space<vmem_shared>>
        tpu.wait_indirect_dma semaphore(%run_scoped3A_143 : memref<!tpu.dma_semaphore, #tpu.memory_space<semaphore_mem>>) src(%dma_wait3A_157 : memref<128x128xf32, #tpu.memory_space<vmem>>) dst(%dma_wait3A_163 : memref<10112x128xf32, #tpu.memory_space<vmem_shared>>)
        tpu.yield
      }) : () -> ()
      %add3A_87 = arith.constant 2 : i32
      %add3A_88 = arith.addi %mul3A_72, %add3A_87 : i32
      %add3A_89 = arith.constant 0 : i32
      %add3A_90 = arith.addi %add3A_88, %add3A_89 : i32
      %mul3A_91 = arith.constant 128 : i32
      %mul3A_92 = arith.muli %add3A_90, %mul3A_91 : i32
      %add3A_93 = arith.addi %mul3A_2, %mul3A_92 : i32
      %run_scoped3A_94 = arith.constant 0 : i32
      "tpu.region"() ({
        %run_scoped3A_143 = tpu.sem_alloc : memref<!tpu.dma_semaphore, #tpu.memory_space<semaphore_mem>>
        %dma_start3A_144 = arith.constant 0 : i32
        %dma_start3A_145 = tpu.memref_slice %arg7[%run_scoped3A_94, %dma_start3A_144] : memref<2x128xi32, #tpu.memory_space<vmem>> -> memref<1x128xi32, #tpu.memory_space<vmem>>
        %dma_start3A_146 = tpu.memref_squeeze %dma_start3A_145 : memref<1x128xi32, #tpu.memory_space<vmem>> -> memref<128xi32, #tpu.memory_space<vmem>>
        %dma_start3A_147 = tpu.memref_slice %arg2[%add3A_93] : memref<327680xi32, #tpu.memory_space<hbm>> -> memref<128xi32, #tpu.memory_space<hbm>>
        %dma_start3A_148 = arith.constant 0 : i32
        %dma_start3A_149 = tpu.memref_slice %arg7[%run_scoped3A_94, %dma_start3A_148] : memref<2x128xi32, #tpu.memory_space<vmem>> -> memref<1x128xi32, #tpu.memory_space<vmem>>
        %dma_start3A_150 = tpu.memref_squeeze %dma_start3A_149 : memref<1x128xi32, #tpu.memory_space<vmem>> -> memref<128xi32, #tpu.memory_space<vmem>>
        %dma_start3A_151 = tpu.memref_slice %arg2[%add3A_93] : memref<327680xi32, #tpu.memory_space<hbm>> -> memref<128xi32, #tpu.memory_space<hbm>>
        tpu.enqueue_dma source(%dma_start3A_151 : memref<128xi32, #tpu.memory_space<hbm>>) target(%dma_start3A_150 : memref<128xi32, #tpu.memory_space<vmem>>) target_semaphore(%run_scoped3A_143 : memref<!tpu.dma_semaphore, #tpu.memory_space<semaphore_mem>>)
        %dma_wait3A_152 = arith.constant 0 : i32
        %dma_wait3A_153 = tpu.memref_slice %arg7[%run_scoped3A_94, %dma_wait3A_152] : memref<2x128xi32, #tpu.memory_space<vmem>> -> memref<1x128xi32, #tpu.memory_space<vmem>>
        %dma_wait3A_154 = tpu.memref_squeeze %dma_wait3A_153 : memref<1x128xi32, #tpu.memory_space<vmem>> -> memref<128xi32, #tpu.memory_space<vmem>>
        %dma_wait3A_155 = tpu.memref_slice %arg2[%add3A_93] : memref<327680xi32, #tpu.memory_space<hbm>> -> memref<128xi32, #tpu.memory_space<hbm>>
        %dma_wait3A_156 = arith.constant 0 : i32
        %dma_wait3A_157 = tpu.memref_slice %arg7[%run_scoped3A_94, %dma_wait3A_156] : memref<2x128xi32, #tpu.memory_space<vmem>> -> memref<1x128xi32, #tpu.memory_space<vmem>>
        %dma_wait3A_158 = tpu.memref_squeeze %dma_wait3A_157 : memref<1x128xi32, #tpu.memory_space<vmem>> -> memref<128xi32, #tpu.memory_space<vmem>>
        %dma_wait3A_159 = tpu.memref_slice %arg2[%add3A_93] : memref<327680xi32, #tpu.memory_space<hbm>> -> memref<128xi32, #tpu.memory_space<hbm>>
        tpu.wait_dma2 semaphore(%run_scoped3A_143 : memref<!tpu.dma_semaphore, #tpu.memory_space<semaphore_mem>>) src(%dma_wait3A_159 : memref<128xi32, #tpu.memory_space<hbm>>) dst(%dma_wait3A_158 : memref<128xi32, #tpu.memory_space<vmem>>)
        tpu.yield
      }) : () -> ()
      %run_scoped3A_95 = arith.constant 0 : i32
      "tpu.region"() ({
        %run_scoped3A_143 = tpu.sem_alloc : memref<!tpu.dma_semaphore, #tpu.memory_space<semaphore_mem>>
        %dma_start3A_144 = arith.constant 0 : i32
        %dma_start3A_145 = tpu.memref_slice %arg8[%run_scoped3A_95, %dma_start3A_144] : memref<2x128xi32, #tpu.memory_space<vmem>> -> memref<1x128xi32, #tpu.memory_space<vmem>>
        %dma_start3A_146 = tpu.memref_squeeze %dma_start3A_145 : memref<1x128xi32, #tpu.memory_space<vmem>> -> memref<128xi32, #tpu.memory_space<vmem>>
        %dma_start3A_147 = tpu.memref_slice %arg3[%add3A_93] : memref<327680xi32, #tpu.memory_space<hbm>> -> memref<128xi32, #tpu.memory_space<hbm>>
        %dma_start3A_148 = arith.constant 0 : i32
        %dma_start3A_149 = tpu.memref_slice %arg8[%run_scoped3A_95, %dma_start3A_148] : memref<2x128xi32, #tpu.memory_space<vmem>> -> memref<1x128xi32, #tpu.memory_space<vmem>>
        %dma_start3A_150 = tpu.memref_squeeze %dma_start3A_149 : memref<1x128xi32, #tpu.memory_space<vmem>> -> memref<128xi32, #tpu.memory_space<vmem>>
        %dma_start3A_151 = tpu.memref_slice %arg3[%add3A_93] : memref<327680xi32, #tpu.memory_space<hbm>> -> memref<128xi32, #tpu.memory_space<hbm>>
        tpu.enqueue_dma source(%dma_start3A_151 : memref<128xi32, #tpu.memory_space<hbm>>) target(%dma_start3A_150 : memref<128xi32, #tpu.memory_space<vmem>>) target_semaphore(%run_scoped3A_143 : memref<!tpu.dma_semaphore, #tpu.memory_space<semaphore_mem>>)
        %dma_wait3A_152 = arith.constant 0 : i32
        %dma_wait3A_153 = tpu.memref_slice %arg8[%run_scoped3A_95, %dma_wait3A_152] : memref<2x128xi32, #tpu.memory_space<vmem>> -> memref<1x128xi32, #tpu.memory_space<vmem>>
        %dma_wait3A_154 = tpu.memref_squeeze %dma_wait3A_153 : memref<1x128xi32, #tpu.memory_space<vmem>> -> memref<128xi32, #tpu.memory_space<vmem>>
        %dma_wait3A_155 = tpu.memref_slice %arg3[%add3A_93] : memref<327680xi32, #tpu.memory_space<hbm>> -> memref<128xi32, #tpu.memory_space<hbm>>
        %dma_wait3A_156 = arith.constant 0 : i32
        %dma_wait3A_157 = tpu.memref_slice %arg8[%run_scoped3A_95, %dma_wait3A_156] : memref<2x128xi32, #tpu.memory_space<vmem>> -> memref<1x128xi32, #tpu.memory_space<vmem>>
        %dma_wait3A_158 = tpu.memref_squeeze %dma_wait3A_157 : memref<1x128xi32, #tpu.memory_space<vmem>> -> memref<128xi32, #tpu.memory_space<vmem>>
        %dma_wait3A_159 = tpu.memref_slice %arg3[%add3A_93] : memref<327680xi32, #tpu.memory_space<hbm>> -> memref<128xi32, #tpu.memory_space<hbm>>
        tpu.wait_dma2 semaphore(%run_scoped3A_143 : memref<!tpu.dma_semaphore, #tpu.memory_space<semaphore_mem>>) src(%dma_wait3A_159 : memref<128xi32, #tpu.memory_space<hbm>>) dst(%dma_wait3A_158 : memref<128xi32, #tpu.memory_space<vmem>>)
        tpu.yield
      }) : () -> ()
      %dma_start3A_96 = arith.constant 0 : i32
      %dma_start3A_97 = arith.constant 0 : i32
      %dma_start3A_98 = arith.constant 0 : i32
      %dma_start3A_99 = arith.constant 0 : i32
      %dma_start3A_100 = tpu.memref_slice %arg9[%dma_start3A_97, %dma_start3A_98, %dma_start3A_99] : memref<2x128x128xf32, #tpu.memory_space<vmem>> -> memref<1x128x128xf32, #tpu.memory_space<vmem>>
      %dma_start3A_101 = tpu.memref_squeeze %dma_start3A_100 : memref<1x128x128xf32, #tpu.memory_space<vmem>> -> memref<128x128xf32, #tpu.memory_space<vmem>>
      %dma_start3A_102 = arith.constant 0 : i32
      %dma_start3A_103 = tpu.memref_slice %arg7[%dma_start3A_96, %dma_start3A_102] : memref<2x128xi32, #tpu.memory_space<vmem>> -> memref<1x128xi32, #tpu.memory_space<vmem>>
      %dma_start3A_104 = tpu.memref_squeeze %dma_start3A_103 : memref<1x128xi32, #tpu.memory_space<vmem>> -> memref<128xi32, #tpu.memory_space<vmem>>
      %dma_start3A_105 = arith.constant 0 : i32
      %dma_start3A_106 = arith.constant 0 : i32
      %dma_start3A_107 = tpu.memref_slice %arg4[%dma_start3A_105, %dma_start3A_106] : memref<10000x128xf32, #tpu.memory_space<hbm>> -> memref<10000x128xf32, #tpu.memory_space<hbm>>
      tpu.enqueue_indirect_dma source(%dma_start3A_107 : memref<10000x128xf32, #tpu.memory_space<hbm>>) target(%dma_start3A_101 : memref<128x128xf32, #tpu.memory_space<vmem>>) offsets(%dma_start3A_104 : memref<128xi32, #tpu.memory_space<vmem>>) semaphore(%arg11 : memref<!tpu.dma_semaphore, #tpu.memory_space<semaphore_mem>>)
      %dma_wait3A_108 = arith.constant 1 : i32
      %dma_wait3A_109 = arith.constant 1 : i32
      %dma_wait3A_110 = arith.constant 0 : i32
      %dma_wait3A_111 = arith.constant 0 : i32
      %dma_wait3A_112 = tpu.memref_slice %arg9[%dma_wait3A_109, %dma_wait3A_110, %dma_wait3A_111] : memref<2x128x128xf32, #tpu.memory_space<vmem>> -> memref<1x128x128xf32, #tpu.memory_space<vmem>>
      %dma_wait3A_113 = tpu.memref_squeeze %dma_wait3A_112 : memref<1x128x128xf32, #tpu.memory_space<vmem>> -> memref<128x128xf32, #tpu.memory_space<vmem>>
      %dma_wait3A_114 = arith.constant 0 : i32
      %dma_wait3A_115 = tpu.memref_slice %arg7[%dma_wait3A_108, %dma_wait3A_114] : memref<2x128xi32, #tpu.memory_space<vmem>> -> memref<1x128xi32, #tpu.memory_space<vmem>>
      %dma_wait3A_116 = tpu.memref_squeeze %dma_wait3A_115 : memref<1x128xi32, #tpu.memory_space<vmem>> -> memref<128xi32, #tpu.memory_space<vmem>>
      %dma_wait3A_117 = arith.constant 0 : i32
      %dma_wait3A_118 = arith.constant 0 : i32
      %dma_wait3A_119 = tpu.memref_slice %arg4[%dma_wait3A_117, %dma_wait3A_118] : memref<10000x128xf32, #tpu.memory_space<hbm>> -> memref<10000x128xf32, #tpu.memory_space<hbm>>
      tpu.wait_indirect_dma semaphore(%arg12 : memref<!tpu.dma_semaphore, #tpu.memory_space<semaphore_mem>>) src(%dma_wait3A_119 : memref<10000x128xf32, #tpu.memory_space<hbm>>) dst(%dma_wait3A_113 : memref<128x128xf32, #tpu.memory_space<vmem>>)
      %run_scoped3A_120 = arith.constant 1 : i32
      %run_scoped3A_121 = arith.constant 1 : i32
      "tpu.region"() ({
        %run_scoped3A_143 = tpu.sem_alloc : memref<!tpu.dma_semaphore, #tpu.memory_space<semaphore_mem>>
        %dma_start3A_144 = arith.constant 0 : i32
        %dma_start3A_145 = arith.constant 0 : i32
        %dma_start3A_146 = tpu.memref_slice %arg9[%run_scoped3A_120, %dma_start3A_144, %dma_start3A_145] : memref<2x128x128xf32, #tpu.memory_space<vmem>> -> memref<1x128x128xf32, #tpu.memory_space<vmem>>
        %dma_start3A_147 = tpu.memref_squeeze %dma_start3A_146 : memref<1x128x128xf32, #tpu.memory_space<vmem>> -> memref<128x128xf32, #tpu.memory_space<vmem>>
        %dma_start3A_148 = arith.constant 0 : i32
        %dma_start3A_149 = tpu.memref_slice %arg8[%run_scoped3A_121, %dma_start3A_148] : memref<2x128xi32, #tpu.memory_space<vmem>> -> memref<1x128xi32, #tpu.memory_space<vmem>>
        %dma_start3A_150 = tpu.memref_squeeze %dma_start3A_149 : memref<1x128xi32, #tpu.memory_space<vmem>> -> memref<128xi32, #tpu.memory_space<vmem>>
        %dma_start3A_151 = arith.constant 0 : i32
        %dma_start3A_152 = arith.constant 0 : i32
        %dma_start3A_153 = tpu.memref_slice %arg10[%dma_start3A_151, %dma_start3A_152] : memref<10112x128xf32, #tpu.memory_space<vmem_shared>> -> memref<10112x128xf32, #tpu.memory_space<vmem_shared>>
        tpu.enqueue_indirect_dma source(%dma_start3A_147 : memref<128x128xf32, #tpu.memory_space<vmem>>) target(%dma_start3A_153 : memref<10112x128xf32, #tpu.memory_space<vmem_shared>>) offsets(%dma_start3A_150 : memref<128xi32, #tpu.memory_space<vmem>>) semaphore(%run_scoped3A_143 : memref<!tpu.dma_semaphore, #tpu.memory_space<semaphore_mem>>) {add = true}
        %dma_wait3A_154 = arith.constant 0 : i32
        %dma_wait3A_155 = arith.constant 0 : i32
        %dma_wait3A_156 = tpu.memref_slice %arg9[%run_scoped3A_120, %dma_wait3A_154, %dma_wait3A_155] : memref<2x128x128xf32, #tpu.memory_space<vmem>> -> memref<1x128x128xf32, #tpu.memory_space<vmem>>
        %dma_wait3A_157 = tpu.memref_squeeze %dma_wait3A_156 : memref<1x128x128xf32, #tpu.memory_space<vmem>> -> memref<128x128xf32, #tpu.memory_space<vmem>>
        %dma_wait3A_158 = arith.constant 0 : i32
        %dma_wait3A_159 = tpu.memref_slice %arg8[%run_scoped3A_121, %dma_wait3A_158] : memref<2x128xi32, #tpu.memory_space<vmem>> -> memref<1x128xi32, #tpu.memory_space<vmem>>
        %dma_wait3A_160 = tpu.memref_squeeze %dma_wait3A_159 : memref<1x128xi32, #tpu.memory_space<vmem>> -> memref<128xi32, #tpu.memory_space<vmem>>
        %dma_wait3A_161 = arith.constant 0 : i32
        %dma_wait3A_162 = arith.constant 0 : i32
        %dma_wait3A_163 = tpu.memref_slice %arg10[%dma_wait3A_161, %dma_wait3A_162] : memref<10112x128xf32, #tpu.memory_space<vmem_shared>> -> memref<10112x128xf32, #tpu.memory_space<vmem_shared>>
        tpu.wait_indirect_dma semaphore(%run_scoped3A_143 : memref<!tpu.dma_semaphore, #tpu.memory_space<semaphore_mem>>) src(%dma_wait3A_157 : memref<128x128xf32, #tpu.memory_space<vmem>>) dst(%dma_wait3A_163 : memref<10112x128xf32, #tpu.memory_space<vmem_shared>>)
        tpu.yield
      }) : () -> ()
      %add3A_122 = arith.constant 2 : i32
      %add3A_123 = arith.addi %mul3A_72, %add3A_122 : i32
      %add3A_124 = arith.constant 1 : i32
      %add3A_125 = arith.addi %add3A_123, %add3A_124 : i32
      %mul3A_126 = arith.constant 128 : i32
      %mul3A_127 = arith.muli %add3A_125, %mul3A_126 : i32
      %add3A_128 = arith.addi %mul3A_2, %mul3A_127 : i32
      %run_scoped3A_129 = arith.constant 1 : i32
      "tpu.region"() ({
        %run_scoped3A_143 = tpu.sem_alloc : memref<!tpu.dma_semaphore, #tpu.memory_space<semaphore_mem>>
        %dma_start3A_144 = arith.constant 0 : i32
        %dma_start3A_145 = tpu.memref_slice %arg7[%run_scoped3A_129, %dma_start3A_144] : memref<2x128xi32, #tpu.memory_space<vmem>> -> memref<1x128xi32, #tpu.memory_space<vmem>>
        %dma_start3A_146 = tpu.memref_squeeze %dma_start3A_145 : memref<1x128xi32, #tpu.memory_space<vmem>> -> memref<128xi32, #tpu.memory_space<vmem>>
        %dma_start3A_147 = tpu.memref_slice %arg2[%add3A_128] : memref<327680xi32, #tpu.memory_space<hbm>> -> memref<128xi32, #tpu.memory_space<hbm>>
        %dma_start3A_148 = arith.constant 0 : i32
        %dma_start3A_149 = tpu.memref_slice %arg7[%run_scoped3A_129, %dma_start3A_148] : memref<2x128xi32, #tpu.memory_space<vmem>> -> memref<1x128xi32, #tpu.memory_space<vmem>>
        %dma_start3A_150 = tpu.memref_squeeze %dma_start3A_149 : memref<1x128xi32, #tpu.memory_space<vmem>> -> memref<128xi32, #tpu.memory_space<vmem>>
        %dma_start3A_151 = tpu.memref_slice %arg2[%add3A_128] : memref<327680xi32, #tpu.memory_space<hbm>> -> memref<128xi32, #tpu.memory_space<hbm>>
        tpu.enqueue_dma source(%dma_start3A_151 : memref<128xi32, #tpu.memory_space<hbm>>) target(%dma_start3A_150 : memref<128xi32, #tpu.memory_space<vmem>>) target_semaphore(%run_scoped3A_143 : memref<!tpu.dma_semaphore, #tpu.memory_space<semaphore_mem>>)
        %dma_wait3A_152 = arith.constant 0 : i32
        %dma_wait3A_153 = tpu.memref_slice %arg7[%run_scoped3A_129, %dma_wait3A_152] : memref<2x128xi32, #tpu.memory_space<vmem>> -> memref<1x128xi32, #tpu.memory_space<vmem>>
        %dma_wait3A_154 = tpu.memref_squeeze %dma_wait3A_153 : memref<1x128xi32, #tpu.memory_space<vmem>> -> memref<128xi32, #tpu.memory_space<vmem>>
        %dma_wait3A_155 = tpu.memref_slice %arg2[%add3A_128] : memref<327680xi32, #tpu.memory_space<hbm>> -> memref<128xi32, #tpu.memory_space<hbm>>
        %dma_wait3A_156 = arith.constant 0 : i32
        %dma_wait3A_157 = tpu.memref_slice %arg7[%run_scoped3A_129, %dma_wait3A_156] : memref<2x128xi32, #tpu.memory_space<vmem>> -> memref<1x128xi32, #tpu.memory_space<vmem>>
        %dma_wait3A_158 = tpu.memref_squeeze %dma_wait3A_157 : memref<1x128xi32, #tpu.memory_space<vmem>> -> memref<128xi32, #tpu.memory_space<vmem>>
        %dma_wait3A_159 = tpu.memref_slice %arg2[%add3A_128] : memref<327680xi32, #tpu.memory_space<hbm>> -> memref<128xi32, #tpu.memory_space<hbm>>
        tpu.wait_dma2 semaphore(%run_scoped3A_143 : memref<!tpu.dma_semaphore, #tpu.memory_space<semaphore_mem>>) src(%dma_wait3A_159 : memref<128xi32, #tpu.memory_space<hbm>>) dst(%dma_wait3A_158 : memref<128xi32, #tpu.memory_space<vmem>>)
        tpu.yield
      }) : () -> ()
      %run_scoped3A_130 = arith.constant 1 : i32
      "tpu.region"() ({
        %run_scoped3A_143 = tpu.sem_alloc : memref<!tpu.dma_semaphore, #tpu.memory_space<semaphore_mem>>
        %dma_start3A_144 = arith.constant 0 : i32
        %dma_start3A_145 = tpu.memref_slice %arg8[%run_scoped3A_130, %dma_start3A_144] : memref<2x128xi32, #tpu.memory_space<vmem>> -> memref<1x128xi32, #tpu.memory_space<vmem>>
        %dma_start3A_146 = tpu.memref_squeeze %dma_start3A_145 : memref<1x128xi32, #tpu.memory_space<vmem>> -> memref<128xi32, #tpu.memory_space<vmem>>
        %dma_start3A_147 = tpu.memref_slice %arg3[%add3A_128] : memref<327680xi32, #tpu.memory_space<hbm>> -> memref<128xi32, #tpu.memory_space<hbm>>
        %dma_start3A_148 = arith.constant 0 : i32
        %dma_start3A_149 = tpu.memref_slice %arg8[%run_scoped3A_130, %dma_start3A_148] : memref<2x128xi32, #tpu.memory_space<vmem>> -> memref<1x128xi32, #tpu.memory_space<vmem>>
        %dma_start3A_150 = tpu.memref_squeeze %dma_start3A_149 : memref<1x128xi32, #tpu.memory_space<vmem>> -> memref<128xi32, #tpu.memory_space<vmem>>
        %dma_start3A_151 = tpu.memref_slice %arg3[%add3A_128] : memref<327680xi32, #tpu.memory_space<hbm>> -> memref<128xi32, #tpu.memory_space<hbm>>
        tpu.enqueue_dma source(%dma_start3A_151 : memref<128xi32, #tpu.memory_space<hbm>>) target(%dma_start3A_150 : memref<128xi32, #tpu.memory_space<vmem>>) target_semaphore(%run_scoped3A_143 : memref<!tpu.dma_semaphore, #tpu.memory_space<semaphore_mem>>)
        %dma_wait3A_152 = arith.constant 0 : i32
        %dma_wait3A_153 = tpu.memref_slice %arg8[%run_scoped3A_130, %dma_wait3A_152] : memref<2x128xi32, #tpu.memory_space<vmem>> -> memref<1x128xi32, #tpu.memory_space<vmem>>
        %dma_wait3A_154 = tpu.memref_squeeze %dma_wait3A_153 : memref<1x128xi32, #tpu.memory_space<vmem>> -> memref<128xi32, #tpu.memory_space<vmem>>
        %dma_wait3A_155 = tpu.memref_slice %arg3[%add3A_128] : memref<327680xi32, #tpu.memory_space<hbm>> -> memref<128xi32, #tpu.memory_space<hbm>>
        %dma_wait3A_156 = arith.constant 0 : i32
        %dma_wait3A_157 = tpu.memref_slice %arg8[%run_scoped3A_130, %dma_wait3A_156] : memref<2x128xi32, #tpu.memory_space<vmem>> -> memref<1x128xi32, #tpu.memory_space<vmem>>
        %dma_wait3A_158 = tpu.memref_squeeze %dma_wait3A_157 : memref<1x128xi32, #tpu.memory_space<vmem>> -> memref<128xi32, #tpu.memory_space<vmem>>
        %dma_wait3A_159 = tpu.memref_slice %arg3[%add3A_128] : memref<327680xi32, #tpu.memory_space<hbm>> -> memref<128xi32, #tpu.memory_space<hbm>>
        tpu.wait_dma2 semaphore(%run_scoped3A_143 : memref<!tpu.dma_semaphore, #tpu.memory_space<semaphore_mem>>) src(%dma_wait3A_159 : memref<128xi32, #tpu.memory_space<hbm>>) dst(%dma_wait3A_158 : memref<128xi32, #tpu.memory_space<vmem>>)
        tpu.yield
      }) : () -> ()
      %dma_start3A_131 = arith.constant 1 : i32
      %dma_start3A_132 = arith.constant 1 : i32
      %dma_start3A_133 = arith.constant 0 : i32
      %dma_start3A_134 = arith.constant 0 : i32
      %dma_start3A_135 = tpu.memref_slice %arg9[%dma_start3A_132, %dma_start3A_133, %dma_start3A_134] : memref<2x128x128xf32, #tpu.memory_space<vmem>> -> memref<1x128x128xf32, #tpu.memory_space<vmem>>
      %dma_start3A_136 = tpu.memref_squeeze %dma_start3A_135 : memref<1x128x128xf32, #tpu.memory_space<vmem>> -> memref<128x128xf32, #tpu.memory_space<vmem>>
      %dma_start3A_137 = arith.constant 0 : i32
      %dma_start3A_138 = tpu.memref_slice %arg7[%dma_start3A_131, %dma_start3A_137] : memref<2x128xi32, #tpu.memory_space<vmem>> -> memref<1x128xi32, #tpu.memory_space<vmem>>
      %dma_start3A_139 = tpu.memref_squeeze %dma_start3A_138 : memref<1x128xi32, #tpu.memory_space<vmem>> -> memref<128xi32, #tpu.memory_space<vmem>>
      %dma_start3A_140 = arith.constant 0 : i32
      %dma_start3A_141 = arith.constant 0 : i32
      %dma_start3A_142 = tpu.memref_slice %arg4[%dma_start3A_140, %dma_start3A_141] : memref<10000x128xf32, #tpu.memory_space<hbm>> -> memref<10000x128xf32, #tpu.memory_space<hbm>>
      tpu.enqueue_indirect_dma source(%dma_start3A_142 : memref<10000x128xf32, #tpu.memory_space<hbm>>) target(%dma_start3A_136 : memref<128x128xf32, #tpu.memory_space<vmem>>) offsets(%dma_start3A_139 : memref<128xi32, #tpu.memory_space<vmem>>) semaphore(%arg12 : memref<!tpu.dma_semaphore, #tpu.memory_space<semaphore_mem>>)
    }
    %scan3A_39 = arith.constant 39 : i32
    %dma_wait3A = arith.constant 0 : i32
    %dma_wait3A_40 = arith.constant 0 : i32
    %dma_wait3A_41 = arith.constant 0 : i32
    %dma_wait3A_42 = arith.constant 0 : i32
    %dma_wait3A_43 = tpu.memref_slice %arg9[%dma_wait3A_40, %dma_wait3A_41, %dma_wait3A_42] : memref<2x128x128xf32, #tpu.memory_space<vmem>> -> memref<1x128x128xf32, #tpu.memory_space<vmem>>
    %dma_wait3A_44 = tpu.memref_squeeze %dma_wait3A_43 : memref<1x128x128xf32, #tpu.memory_space<vmem>> -> memref<128x128xf32, #tpu.memory_space<vmem>>
    %dma_wait3A_45 = arith.constant 0 : i32
    %dma_wait3A_46 = tpu.memref_slice %arg7[%dma_wait3A, %dma_wait3A_45] : memref<2x128xi32, #tpu.memory_space<vmem>> -> memref<1x128xi32, #tpu.memory_space<vmem>>
    %dma_wait3A_47 = tpu.memref_squeeze %dma_wait3A_46 : memref<1x128xi32, #tpu.memory_space<vmem>> -> memref<128xi32, #tpu.memory_space<vmem>>
    %dma_wait3A_48 = arith.constant 0 : i32
    %dma_wait3A_49 = arith.constant 0 : i32
    %dma_wait3A_50 = tpu.memref_slice %arg4[%dma_wait3A_48, %dma_wait3A_49] : memref<10000x128xf32, #tpu.memory_space<hbm>> -> memref<10000x128xf32, #tpu.memory_space<hbm>>
    tpu.wait_indirect_dma semaphore(%arg11 : memref<!tpu.dma_semaphore, #tpu.memory_space<semaphore_mem>>) src(%dma_wait3A_50 : memref<10000x128xf32, #tpu.memory_space<hbm>>) dst(%dma_wait3A_44 : memref<128x128xf32, #tpu.memory_space<vmem>>)
    %run_scoped3A_51 = arith.constant 0 : i32
    %run_scoped3A_52 = arith.constant 0 : i32
    "tpu.region"() ({
      %run_scoped3A_70 = tpu.sem_alloc : memref<!tpu.dma_semaphore, #tpu.memory_space<semaphore_mem>>
      %dma_start3A_71 = arith.constant 0 : i32
      %dma_start3A_72 = arith.constant 0 : i32
      %dma_start3A_73 = tpu.memref_slice %arg9[%run_scoped3A_51, %dma_start3A_71, %dma_start3A_72] : memref<2x128x128xf32, #tpu.memory_space<vmem>> -> memref<1x128x128xf32, #tpu.memory_space<vmem>>
      %dma_start3A_74 = tpu.memref_squeeze %dma_start3A_73 : memref<1x128x128xf32, #tpu.memory_space<vmem>> -> memref<128x128xf32, #tpu.memory_space<vmem>>
      %dma_start3A_75 = arith.constant 0 : i32
      %dma_start3A_76 = tpu.memref_slice %arg8[%run_scoped3A_52, %dma_start3A_75] : memref<2x128xi32, #tpu.memory_space<vmem>> -> memref<1x128xi32, #tpu.memory_space<vmem>>
      %dma_start3A_77 = tpu.memref_squeeze %dma_start3A_76 : memref<1x128xi32, #tpu.memory_space<vmem>> -> memref<128xi32, #tpu.memory_space<vmem>>
      %dma_start3A_78 = arith.constant 0 : i32
      %dma_start3A_79 = arith.constant 0 : i32
      %dma_start3A_80 = tpu.memref_slice %arg10[%dma_start3A_78, %dma_start3A_79] : memref<10112x128xf32, #tpu.memory_space<vmem_shared>> -> memref<10112x128xf32, #tpu.memory_space<vmem_shared>>
      tpu.enqueue_indirect_dma source(%dma_start3A_74 : memref<128x128xf32, #tpu.memory_space<vmem>>) target(%dma_start3A_80 : memref<10112x128xf32, #tpu.memory_space<vmem_shared>>) offsets(%dma_start3A_77 : memref<128xi32, #tpu.memory_space<vmem>>) semaphore(%run_scoped3A_70 : memref<!tpu.dma_semaphore, #tpu.memory_space<semaphore_mem>>) {add = true}
      %dma_wait3A_81 = arith.constant 0 : i32
      %dma_wait3A_82 = arith.constant 0 : i32
      %dma_wait3A_83 = tpu.memref_slice %arg9[%run_scoped3A_51, %dma_wait3A_81, %dma_wait3A_82] : memref<2x128x128xf32, #tpu.memory_space<vmem>> -> memref<1x128x128xf32, #tpu.memory_space<vmem>>
      %dma_wait3A_84 = tpu.memref_squeeze %dma_wait3A_83 : memref<1x128x128xf32, #tpu.memory_space<vmem>> -> memref<128x128xf32, #tpu.memory_space<vmem>>
      %dma_wait3A_85 = arith.constant 0 : i32
      %dma_wait3A_86 = tpu.memref_slice %arg8[%run_scoped3A_52, %dma_wait3A_85] : memref<2x128xi32, #tpu.memory_space<vmem>> -> memref<1x128xi32, #tpu.memory_space<vmem>>
      %dma_wait3A_87 = tpu.memref_squeeze %dma_wait3A_86 : memref<1x128xi32, #tpu.memory_space<vmem>> -> memref<128xi32, #tpu.memory_space<vmem>>
      %dma_wait3A_88 = arith.constant 0 : i32
      %dma_wait3A_89 = arith.constant 0 : i32
      %dma_wait3A_90 = tpu.memref_slice %arg10[%dma_wait3A_88, %dma_wait3A_89] : memref<10112x128xf32, #tpu.memory_space<vmem_shared>> -> memref<10112x128xf32, #tpu.memory_space<vmem_shared>>
      tpu.wait_indirect_dma semaphore(%run_scoped3A_70 : memref<!tpu.dma_semaphore, #tpu.memory_space<semaphore_mem>>) src(%dma_wait3A_84 : memref<128x128xf32, #tpu.memory_space<vmem>>) dst(%dma_wait3A_90 : memref<10112x128xf32, #tpu.memory_space<vmem_shared>>)
      tpu.yield
    }) : () -> ()
    %dma_wait3A_53 = arith.constant 1 : i32
    %dma_wait3A_54 = arith.constant 1 : i32
    %dma_wait3A_55 = arith.constant 0 : i32
    %dma_wait3A_56 = arith.constant 0 : i32
    %dma_wait3A_57 = tpu.memref_slice %arg9[%dma_wait3A_54, %dma_wait3A_55, %dma_wait3A_56] : memref<2x128x128xf32, #tpu.memory_space<vmem>> -> memref<1x128x128xf32, #tpu.memory_space<vmem>>
    %dma_wait3A_58 = tpu.memref_squeeze %dma_wait3A_57 : memref<1x128x128xf32, #tpu.memory_space<vmem>> -> memref<128x128xf32, #tpu.memory_space<vmem>>
    %dma_wait3A_59 = arith.constant 0 : i32
    %dma_wait3A_60 = tpu.memref_slice %arg7[%dma_wait3A_53, %dma_wait3A_59] : memref<2x128xi32, #tpu.memory_space<vmem>> -> memref<1x128xi32, #tpu.memory_space<vmem>>
    %dma_wait3A_61 = tpu.memref_squeeze %dma_wait3A_60 : memref<1x128xi32, #tpu.memory_space<vmem>> -> memref<128xi32, #tpu.memory_space<vmem>>
    %dma_wait3A_62 = arith.constant 0 : i32
    %dma_wait3A_63 = arith.constant 0 : i32
    %dma_wait3A_64 = tpu.memref_slice %arg4[%dma_wait3A_62, %dma_wait3A_63] : memref<10000x128xf32, #tpu.memory_space<hbm>> -> memref<10000x128xf32, #tpu.memory_space<hbm>>
    tpu.wait_indirect_dma semaphore(%arg12 : memref<!tpu.dma_semaphore, #tpu.memory_space<semaphore_mem>>) src(%dma_wait3A_64 : memref<10000x128xf32, #tpu.memory_space<hbm>>) dst(%dma_wait3A_58 : memref<128x128xf32, #tpu.memory_space<vmem>>)
    %run_scoped3A_65 = arith.constant 1 : i32
    %run_scoped3A_66 = arith.constant 1 : i32
    "tpu.region"() ({
      %run_scoped3A_70 = tpu.sem_alloc : memref<!tpu.dma_semaphore, #tpu.memory_space<semaphore_mem>>
      %dma_start3A_71 = arith.constant 0 : i32
      %dma_start3A_72 = arith.constant 0 : i32
      %dma_start3A_73 = tpu.memref_slice %arg9[%run_scoped3A_65, %dma_start3A_71, %dma_start3A_72] : memref<2x128x128xf32, #tpu.memory_space<vmem>> -> memref<1x128x128xf32, #tpu.memory_space<vmem>>
      %dma_start3A_74 = tpu.memref_squeeze %dma_start3A_73 : memref<1x128x128xf32, #tpu.memory_space<vmem>> -> memref<128x128xf32, #tpu.memory_space<vmem>>
      %dma_start3A_75 = arith.constant 0 : i32
      %dma_start3A_76 = tpu.memref_slice %arg8[%run_scoped3A_66, %dma_start3A_75] : memref<2x128xi32, #tpu.memory_space<vmem>> -> memref<1x128xi32, #tpu.memory_space<vmem>>
      %dma_start3A_77 = tpu.memref_squeeze %dma_start3A_76 : memref<1x128xi32, #tpu.memory_space<vmem>> -> memref<128xi32, #tpu.memory_space<vmem>>
      %dma_start3A_78 = arith.constant 0 : i32
      %dma_start3A_79 = arith.constant 0 : i32
      %dma_start3A_80 = tpu.memref_slice %arg10[%dma_start3A_78, %dma_start3A_79] : memref<10112x128xf32, #tpu.memory_space<vmem_shared>> -> memref<10112x128xf32, #tpu.memory_space<vmem_shared>>
      tpu.enqueue_indirect_dma source(%dma_start3A_74 : memref<128x128xf32, #tpu.memory_space<vmem>>) target(%dma_start3A_80 : memref<10112x128xf32, #tpu.memory_space<vmem_shared>>) offsets(%dma_start3A_77 : memref<128xi32, #tpu.memory_space<vmem>>) semaphore(%run_scoped3A_70 : memref<!tpu.dma_semaphore, #tpu.memory_space<semaphore_mem>>) {add = true}
      %dma_wait3A_81 = arith.constant 0 : i32
      %dma_wait3A_82 = arith.constant 0 : i32
      %dma_wait3A_83 = tpu.memref_slice %arg9[%run_scoped3A_65, %dma_wait3A_81, %dma_wait3A_82] : memref<2x128x128xf32, #tpu.memory_space<vmem>> -> memref<1x128x128xf32, #tpu.memory_space<vmem>>
      %dma_wait3A_84 = tpu.memref_squeeze %dma_wait3A_83 : memref<1x128x128xf32, #tpu.memory_space<vmem>> -> memref<128x128xf32, #tpu.memory_space<vmem>>
      %dma_wait3A_85 = arith.constant 0 : i32
      %dma_wait3A_86 = tpu.memref_slice %arg8[%run_scoped3A_66, %dma_wait3A_85] : memref<2x128xi32, #tpu.memory_space<vmem>> -> memref<1x128xi32, #tpu.memory_space<vmem>>
      %dma_wait3A_87 = tpu.memref_squeeze %dma_wait3A_86 : memref<1x128xi32, #tpu.memory_space<vmem>> -> memref<128xi32, #tpu.memory_space<vmem>>
      %dma_wait3A_88 = arith.constant 0 : i32
      %dma_wait3A_89 = arith.constant 0 : i32
      %dma_wait3A_90 = tpu.memref_slice %arg10[%dma_wait3A_88, %dma_wait3A_89] : memref<10112x128xf32, #tpu.memory_space<vmem_shared>> -> memref<10112x128xf32, #tpu.memory_space<vmem_shared>>
      tpu.wait_indirect_dma semaphore(%run_scoped3A_70 : memref<!tpu.dma_semaphore, #tpu.memory_space<semaphore_mem>>) src(%dma_wait3A_84 : memref<128x128xf32, #tpu.memory_space<vmem>>) dst(%dma_wait3A_90 : memref<10112x128xf32, #tpu.memory_space<vmem_shared>>)
      tpu.yield
    }) : () -> ()
    %barrier3A_67 = arith.constant 0 : index
    tpu.barrier barrier_id(%barrier3A_67)
    %mul3A_68 = arith.constant 632 : i32
    %mul3A_69 = arith.muli %arg1, %mul3A_68 : i32
    "tpu.region"() ({
      %run_scoped3A_70 = tpu.sem_alloc : memref<!tpu.dma_semaphore, #tpu.memory_space<semaphore_mem>>
      %dma_start3A_71 = arith.constant 0 : i32
      %dma_start3A_72 = arith.constant 0 : i32
      %dma_start3A_73 = tpu.memref_slice %arg6[%arg0, %dma_start3A_71, %dma_start3A_72] : memref<2x10112x128xf32, #tpu.memory_space<hbm>> -> memref<1x10112x128xf32, #tpu.memory_space<hbm>>
      %dma_start3A_74 = tpu.memref_squeeze %dma_start3A_73 : memref<1x10112x128xf32, #tpu.memory_space<hbm>> -> memref<10112x128xf32, #tpu.memory_space<hbm>>
      %dma_start3A_75 = arith.constant 0 : i32
      %dma_start3A_76 = tpu.memref_slice %dma_start3A_74[%mul3A_69, %dma_start3A_75] : memref<10112x128xf32, #tpu.memory_space<hbm>> -> memref<632x128xf32, #tpu.memory_space<hbm>>
      %dma_start3A_77 = arith.constant 0 : i32
      %dma_start3A_78 = tpu.memref_slice %arg10[%mul3A_69, %dma_start3A_77] : memref<10112x128xf32, #tpu.memory_space<vmem_shared>> -> memref<632x128xf32, #tpu.memory_space<vmem_shared>>
      tpu.enqueue_dma source(%dma_start3A_78 : memref<632x128xf32, #tpu.memory_space<vmem_shared>>) target(%dma_start3A_76 : memref<632x128xf32, #tpu.memory_space<hbm>>) target_semaphore(%run_scoped3A_70 : memref<!tpu.dma_semaphore, #tpu.memory_space<semaphore_mem>>)
      %dma_wait3A_79 = arith.constant 0 : i32
      %dma_wait3A_80 = arith.constant 0 : i32
      %dma_wait3A_81 = tpu.memref_slice %arg6[%arg0, %dma_wait3A_79, %dma_wait3A_80] : memref<2x10112x128xf32, #tpu.memory_space<hbm>> -> memref<1x10112x128xf32, #tpu.memory_space<hbm>>
      %dma_wait3A_82 = tpu.memref_squeeze %dma_wait3A_81 : memref<1x10112x128xf32, #tpu.memory_space<hbm>> -> memref<10112x128xf32, #tpu.memory_space<hbm>>
      %dma_wait3A_83 = arith.constant 0 : i32
      %dma_wait3A_84 = tpu.memref_slice %dma_wait3A_82[%mul3A_69, %dma_wait3A_83] : memref<10112x128xf32, #tpu.memory_space<hbm>> -> memref<632x128xf32, #tpu.memory_space<hbm>>
      %dma_wait3A_85 = arith.constant 0 : i32
      %dma_wait3A_86 = tpu.memref_slice %arg10[%mul3A_69, %dma_wait3A_85] : memref<10112x128xf32, #tpu.memory_space<vmem_shared>> -> memref<632x128xf32, #tpu.memory_space<vmem_shared>>
      tpu.wait_dma2 semaphore(%run_scoped3A_70 : memref<!tpu.dma_semaphore, #tpu.memory_space<semaphore_mem>>) src(%dma_wait3A_86 : memref<632x128xf32, #tpu.memory_space<vmem_shared>>) dst(%dma_wait3A_84 : memref<632x128xf32, #tpu.memory_space<hbm>>)
      tpu.yield
    }) : () -> ()
    return
  }
}

module attributes {stable_mosaic.version = 14 : i64} {
  func.func @_mlp_body(%arg0: i32, %arg1: memref<400x128xf32, #tpu.memory_space<vmem>>, %arg2: memref<2x400x128xf32, #tpu.memory_space<vmem>>, %arg3: memref<128x128xf32, #tpu.memory_space<vmem>>, %arg4: memref<1x128xf32, #tpu.memory_space<vmem>>, %arg5: memref<128x128xf32, #tpu.memory_space<vmem>>, %arg6: memref<1x128xf32, #tpu.memory_space<vmem>>, %arg7: memref<1x128xf32, #tpu.memory_space<vmem>>, %arg8: memref<1x128xf32, #tpu.memory_space<vmem>>, %arg9: memref<128x128xf32, #tpu.memory_space<vmem>>, %arg10: memref<1x128xf32, #tpu.memory_space<vmem>>, %arg11: memref<400x128xf32, #tpu.memory_space<vmem>>) attributes {dimension_semantics = [#tpu.dimension_semantics<arbitrary>], iteration_bounds = array<i64: 25>, scalar_prefetch = 0 : i64, scratch_operands = 0 : i64, tpu.core_type = #tpu.core_type<tc>, window_params = [{transform_indices = @transform_0, window_bounds = array<i64: 400, 128>}, {transform_indices = @transform_1, window_bounds = array<i64: 2, 400, 128>}, {pipeline_mode = #tpu.pipeline_mode<synchronous>, transform_indices = @transform_2, window_bounds = array<i64: 128, 128>}, {pipeline_mode = #tpu.pipeline_mode<synchronous>, transform_indices = @transform_3, window_bounds = array<i64: 1, 128>}, {pipeline_mode = #tpu.pipeline_mode<synchronous>, transform_indices = @transform_4, window_bounds = array<i64: 128, 128>}, {pipeline_mode = #tpu.pipeline_mode<synchronous>, transform_indices = @transform_5, window_bounds = array<i64: 1, 128>}, {pipeline_mode = #tpu.pipeline_mode<synchronous>, transform_indices = @transform_6, window_bounds = array<i64: 1, 128>}, {pipeline_mode = #tpu.pipeline_mode<synchronous>, transform_indices = @transform_7, window_bounds = array<i64: 1, 128>}, {pipeline_mode = #tpu.pipeline_mode<synchronous>, transform_indices = @transform_8, window_bounds = array<i64: 128, 128>}, {pipeline_mode = #tpu.pipeline_mode<synchronous>, transform_indices = @transform_9, window_bounds = array<i64: 1, 128>}, {transform_indices = @transform_10, window_bounds = array<i64: 400, 128>}]} {
    %get3A = arith.constant 0 : index
    %get3A_0 = arith.constant 0 : index
    %get3A_1 = vector.load %arg1[%get3A, %get3A_0] : memref<400x128xf32, #tpu.memory_space<vmem>>, vector<400x128xf32>
    %get3A_2 = arith.constant 0 : index
    %get3A_3 = arith.constant 0 : index
    %get3A_4 = arith.constant 0 : index
    %get3A_5 = vector.load %arg2[%get3A_2, %get3A_3, %get3A_4] : memref<2x400x128xf32, #tpu.memory_space<vmem>>, vector<1x400x128xf32>
    %get3A_6 = vector.shape_cast %get3A_5 : vector<1x400x128xf32> to vector<400x128xf32>
    %add3A = arith.addf %get3A_1, %get3A_6 : vector<400x128xf32>
    %get3A_7 = arith.constant 1 : index
    %get3A_8 = arith.constant 0 : index
    %get3A_9 = arith.constant 0 : index
    %get3A_10 = vector.load %arg2[%get3A_7, %get3A_8, %get3A_9] : memref<2x400x128xf32, #tpu.memory_space<vmem>>, vector<1x400x128xf32>
    %get3A_11 = vector.shape_cast %get3A_10 : vector<1x400x128xf32> to vector<400x128xf32>
    %add3A_12 = arith.addf %add3A, %get3A_11 : vector<400x128xf32>
    %get3A_13 = arith.constant 0 : index
    %get3A_14 = arith.constant 0 : index
    %get3A_15 = vector.load %arg3[%get3A_13, %get3A_14] : memref<128x128xf32, #tpu.memory_space<vmem>>, vector<128x128xf32>
    %dot_general3A = arith.constant dense<0.000000e+00> : vector<400x128xf32>
    %dot_general3A_16 = tpu.matmul %add3A_12, %get3A_15, %dot_general3A {dimension_numbers = #tpu.dot_dimension_numbers<[1], [1], [0], [0], [0, 0, 1, 0], [], []>, precision = #tpu.contract_precision<fp32>, transpose_lhs_hint = false} : vector<400x128xf32>, vector<128x128xf32>, vector<400x128xf32> -> vector<400x128xf32>
    %get3A_17 = arith.constant 0 : index
    %get3A_18 = arith.constant 0 : index
    %get3A_19 = vector.load %arg4[%get3A_17, %get3A_18] : memref<1x128xf32, #tpu.memory_space<vmem>>, vector<1x128xf32>
    %add3A_20 = vector.broadcast %get3A_19 : vector<1x128xf32> to vector<400x128xf32>
    %add3A_21 = arith.addf %dot_general3A_16, %add3A_20 : vector<400x128xf32>
    %max3A = arith.constant 0.000000e+00 : f32
    %max3A_22 = vector.broadcast %max3A : f32 to vector<400x128xf32>
    %max3A_23 = arith.maximumf %add3A_21, %max3A_22 : vector<400x128xf32>
    %get3A_24 = arith.constant 0 : index
    %get3A_25 = arith.constant 0 : index
    %get3A_26 = vector.load %arg5[%get3A_24, %get3A_25] : memref<128x128xf32, #tpu.memory_space<vmem>>, vector<128x128xf32>
    %dot_general3A_27 = arith.constant dense<0.000000e+00> : vector<400x128xf32>
    %dot_general3A_28 = tpu.matmul %max3A_23, %get3A_26, %dot_general3A_27 {dimension_numbers = #tpu.dot_dimension_numbers<[1], [1], [0], [0], [0, 0, 1, 0], [], []>, precision = #tpu.contract_precision<fp32>, transpose_lhs_hint = false} : vector<400x128xf32>, vector<128x128xf32>, vector<400x128xf32> -> vector<400x128xf32>
    %get3A_29 = arith.constant 0 : index
    %get3A_30 = arith.constant 0 : index
    %get3A_31 = vector.load %arg6[%get3A_29, %get3A_30] : memref<1x128xf32, #tpu.memory_space<vmem>>, vector<1x128xf32>
    %add3A_32 = vector.broadcast %get3A_31 : vector<1x128xf32> to vector<400x128xf32>
    %add3A_33 = arith.addf %dot_general3A_28, %add3A_32 : vector<400x128xf32>
    %reduce_sum3A = arith.constant dense<0.000000e+00> : vector<400xf32>
    %reduce_sum3A_34 = vector.multi_reduction <add>, %add3A_33, %reduce_sum3A [1] : vector<400x128xf32> to vector<400xf32>
    %broadcast_in_dim3A = vector.shape_cast %reduce_sum3A_34 : vector<400xf32> to vector<400x1xf32>
    %div3A = arith.constant 1.280000e+02 : f32
    %div3A_35 = vector.broadcast %div3A : f32 to vector<400x1xf32>
    %div3A_36 = arith.divf %broadcast_in_dim3A, %div3A_35 : vector<400x1xf32>
    %sub3A = vector.broadcast %div3A_36 : vector<400x1xf32> to vector<400x128xf32>
    %sub3A_37 = arith.subf %add3A_33, %sub3A : vector<400x128xf32>
    %mul3A = arith.mulf %sub3A_37, %sub3A_37 : vector<400x128xf32>
    %reduce_sum3A_38 = arith.constant dense<0.000000e+00> : vector<400xf32>
    %reduce_sum3A_39 = vector.multi_reduction <add>, %mul3A, %reduce_sum3A_38 [1] : vector<400x128xf32> to vector<400xf32>
    %broadcast_in_dim3A_40 = vector.shape_cast %reduce_sum3A_39 : vector<400xf32> to vector<400x1xf32>
    %div3A_41 = arith.constant 1.280000e+02 : f32
    %div3A_42 = vector.broadcast %div3A_41 : f32 to vector<400x1xf32>
    %div3A_43 = arith.divf %broadcast_in_dim3A_40, %div3A_42 : vector<400x1xf32>
    %add3A_44 = arith.constant 9.99999974E-6 : f32
    %add3A_45 = vector.broadcast %add3A_44 : f32 to vector<400x1xf32>
    %add3A_46 = arith.addf %div3A_43, %add3A_45 : vector<400x1xf32>
    %rsqrt3A = math.rsqrt %add3A_46 : vector<400x1xf32>
    %mul3A_47 = vector.broadcast %rsqrt3A : vector<400x1xf32> to vector<400x128xf32>
    %mul3A_48 = arith.mulf %sub3A_37, %mul3A_47 : vector<400x128xf32>
    %get3A_49 = arith.constant 0 : index
    %get3A_50 = arith.constant 0 : index
    %get3A_51 = vector.load %arg7[%get3A_49, %get3A_50] : memref<1x128xf32, #tpu.memory_space<vmem>>, vector<1x128xf32>
    %mul3A_52 = vector.broadcast %get3A_51 : vector<1x128xf32> to vector<400x128xf32>
    %mul3A_53 = arith.mulf %mul3A_48, %mul3A_52 : vector<400x128xf32>
    %get3A_54 = arith.constant 0 : index
    %get3A_55 = arith.constant 0 : index
    %get3A_56 = vector.load %arg8[%get3A_54, %get3A_55] : memref<1x128xf32, #tpu.memory_space<vmem>>, vector<1x128xf32>
    %add3A_57 = vector.broadcast %get3A_56 : vector<1x128xf32> to vector<400x128xf32>
    %add3A_58 = arith.addf %mul3A_53, %add3A_57 : vector<400x128xf32>
    %get3A_59 = arith.constant 0 : index
    %get3A_60 = arith.constant 0 : index
    %get3A_61 = vector.load %arg9[%get3A_59, %get3A_60] : memref<128x128xf32, #tpu.memory_space<vmem>>, vector<128x128xf32>
    %dot_general3A_62 = arith.constant dense<0.000000e+00> : vector<400x128xf32>
    %dot_general3A_63 = tpu.matmul %get3A_1, %get3A_61, %dot_general3A_62 {dimension_numbers = #tpu.dot_dimension_numbers<[1], [1], [0], [0], [0, 0, 1, 0], [], []>, precision = #tpu.contract_precision<fp32>, transpose_lhs_hint = false} : vector<400x128xf32>, vector<128x128xf32>, vector<400x128xf32> -> vector<400x128xf32>
    %get3A_64 = arith.constant 0 : index
    %get3A_65 = arith.constant 0 : index
    %get3A_66 = vector.load %arg10[%get3A_64, %get3A_65] : memref<1x128xf32, #tpu.memory_space<vmem>>, vector<1x128xf32>
    %add3A_67 = vector.broadcast %get3A_66 : vector<1x128xf32> to vector<400x128xf32>
    %add3A_68 = arith.addf %dot_general3A_63, %add3A_67 : vector<400x128xf32>
    %add3A_69 = arith.addf %add3A_58, %add3A_68 : vector<400x128xf32>
    %swap3A = arith.constant 0 : index
    %swap3A_70 = arith.constant 0 : index
    %swap3A_71 = vector.load %arg11[%swap3A, %swap3A_70] : memref<400x128xf32, #tpu.memory_space<vmem>>, vector<400x128xf32>
    tpu.vector_store %arg11[%swap3A, %swap3A_70], %add3A_69 {strides = array<i32>} : memref<400x128xf32, #tpu.memory_space<vmem>>, vector<400x128xf32>,
    return
  }
  func.func @transform_0(%arg0: i32) -> (i32, i32) {
    %c0_i32 = arith.constant 0 : i32
    %c0_i32_0 = arith.constant 0 : i32
    return %arg0, %c0_i32 : i32, i32
  }
  func.func @transform_1(%arg0: i32) -> (i32, i32, i32) {
    %c0_i32 = arith.constant 0 : i32
    %c0_i32_0 = arith.constant 0 : i32
    %c0_i32_1 = arith.constant 0 : i32
    return %c0_i32, %arg0, %c0_i32_0 : i32, i32, i32
  }
  func.func @transform_2(%arg0: i32) -> (i32, i32) {
    %c0_i32 = arith.constant 0 : i32
    %c0_i32_0 = arith.constant 0 : i32
    %c0_i32_1 = arith.constant 0 : i32
    return %c0_i32, %c0_i32_0 : i32, i32
  }
  func.func @transform_3(%arg0: i32) -> (i32, i32) {
    %c0_i32 = arith.constant 0 : i32
    %c0_i32_0 = arith.constant 0 : i32
    %c0_i32_1 = arith.constant 0 : i32
    return %c0_i32, %c0_i32_0 : i32, i32
  }
  func.func @transform_4(%arg0: i32) -> (i32, i32) {
    %c0_i32 = arith.constant 0 : i32
    %c0_i32_0 = arith.constant 0 : i32
    %c0_i32_1 = arith.constant 0 : i32
    return %c0_i32, %c0_i32_0 : i32, i32
  }
  func.func @transform_5(%arg0: i32) -> (i32, i32) {
    %c0_i32 = arith.constant 0 : i32
    %c0_i32_0 = arith.constant 0 : i32
    %c0_i32_1 = arith.constant 0 : i32
    return %c0_i32, %c0_i32_0 : i32, i32
  }
  func.func @transform_6(%arg0: i32) -> (i32, i32) {
    %c0_i32 = arith.constant 0 : i32
    %c0_i32_0 = arith.constant 0 : i32
    %c0_i32_1 = arith.constant 0 : i32
    return %c0_i32, %c0_i32_0 : i32, i32
  }
  func.func @transform_7(%arg0: i32) -> (i32, i32) {
    %c0_i32 = arith.constant 0 : i32
    %c0_i32_0 = arith.constant 0 : i32
    %c0_i32_1 = arith.constant 0 : i32
    return %c0_i32, %c0_i32_0 : i32, i32
  }
  func.func @transform_8(%arg0: i32) -> (i32, i32) {
    %c0_i32 = arith.constant 0 : i32
    %c0_i32_0 = arith.constant 0 : i32
    %c0_i32_1 = arith.constant 0 : i32
    return %c0_i32, %c0_i32_0 : i32, i32
  }
  func.func @transform_9(%arg0: i32) -> (i32, i32) {
    %c0_i32 = arith.constant 0 : i32
    %c0_i32_0 = arith.constant 0 : i32
    %c0_i32_1 = arith.constant 0 : i32
    return %c0_i32, %c0_i32_0 : i32, i32
  }
  func.func @transform_10(%arg0: i32) -> (i32, i32) {
    %c0_i32 = arith.constant 0 : i32
    %c0_i32_0 = arith.constant 0 : i32
    return %arg0, %c0_i32 : i32, i32
  }
}

</mosaic_0001>

<sc_bundles>
// kernel: kernel.4.cloned.1.call-start
scs
__scs_entry_jumppad:
0x0: {  	(pc) =	sbr.rel $0x88, $3  }
0x1: {  	(tag) =	ssettag $0x0;
	lr =	simm.s32 $0x1  }
0x2: {  	[smem:$0x3F97] =	sst lr;
	_ =	strace $0xD0000000  }
0x3: {  	_ = 	snop  }
0x4: {  	_ = 	snop  }
0x5: {  	_ = 	snop  }
0x6: {  	_ = 	snop  }
0x7: {  	_ = 	snop  }
__scs_overlays_trampoline_lowered:
0x8: {  	[smem:$0x3FA6] =	sst s0  }
0x9: {  	[smem:$0x3FA7] =	sst s1  }
0xa: {  	[smem:$0x3FA8] =	sst s2  }
0xb: {  	[smem:$0x3FA9] =	sst s3  }
0xc: {  	[smem:$0x3FAA] =	sst s4  }
0xd: {  	[smem:$0x3FAB] =	sst s5  }
0xe: {  	[smem:$0x3FAC] =	sst s6  }
0xf: {  	[smem:$0x3FAD] =	sst s7  }
0x10: {  	[smem:$0x3FAE] =	sst s8  }
0x11: {  	[smem:$0x3FAF] =	sst s9;
	s0 =	simm.s32 @!p0 $0x0  }
0x12: {  	s1 =	sld [smem:$0x3F95];
	s0 =	simm.s32 @p0 $0x1  }
0x13: {  	[smem:$0x3FB0] =	sst s0;
	s0 =	simm.s32 @!p1 $0x0  }
0x14: {  	s2 =	sld [smem:$0x3F94];
	s0 =	simm.s32 @p1 $0x1  }
0x15: {  	[smem:$0x3FB1] =	sst s0;
	s0 =	simm.s32 @!p2 $0x0  }
0x16: {  	s3 =	sld [smem:$0x3FDB];
	s0 =	simm.s32 @p2 $0x1  }
0x17: {  	s4 =	simm.s32 $0x1BF5;
	[smem:$0x3FB3] =	sst s0  }
0x18: {  	s0 =	sld [smem:$0x3F96];
	_ =	swait.ge [sflag:s4], $0x0  }
0x19: {  	s7 =	sld [smem:$0x3F97]  }
0x1a: {  	s8 =	sadd.s32 $0xFFFFE003, lr  }
0x1b: {  	s9 =	sadd.s32 $0xFFFFFEF7, lr;
	s5 =	simm.s32 $0xFFFFFFFF;
	p2 =	slt.u32 s8, $0xFFFFF086  }
0x1c: {  	p1 =	slt.u32 s9, $0xF7A;
	s5 =	simm.s32 @!p2 $0x0  }
0x1d: {  	s5 =	simm.s32 @p1 $0x1;
	p0 =	seq.s32 s7, s2  }
0x1e: {  	s7 =	smul.u32 @!p0 $0xF7A, s2;
	p2 =	seq.s32 @!p0 s5, $0x0  }
0x1f: {  	s9 =	smul.u32 $0xF7A, s1;
	s8 =	simm.s32 @!p0 $0x1BF5;
	p2 =	por !p2, p0  }
0x20: {  	[sflag:s8] =	ssyncset.s32 @!p0 $0xFFFFF086;
	s6 =	sadd.s32 @!p0 s3, s7;
	s7 =	simm.s32 @!p0 $0x108  }
0x21: {  	s3 =	sadd.s32 s3, s9;
	s6 =	sadd.s32 @!p0 $0x88, s6;
	s7 =	simm.s32 @p2 $0x1082  }
0x22: {  	[simem:s7], [sflag:s8] =	dma.local @!p0 [hbm:s6], $0xF7A  }
0x23: {  	s9 =	sor.u32 $0xD0000000, s2;
	s6 =	simm.s32 $0x108;
	_ =	swait.ge @!p0 [sflag:s8], $0x0  }
0x24: {  	s3 =	sadd.s32 $0x88, s3;
	s6 =	simm.s32 @!p1 $0x1082;
	[sflag:s4] =	ssyncset.s32 $0xFFFFF086  }
0x25: {  	[simem:s6], [sflag:s4] =	dma.local [hbm:s3], $0xF7A  }
0x26: {  	[smem:$0x3F97] =	sst s1;
	(tag) =	ssettag s2;
	_ =	strace s9  }
0x27: {  	s1 =	sld [smem:$0x3FA7]  }
0x28: {  	s2 =	sld [smem:$0x3FA8]  }
0x29: {  	s4 =	sld [smem:$0x3FAA]  }
0x2a: {  	p0 =	seq.s32 s5, $0x0;
	s5 =	sld [smem:$0x3FAB]  }
0x2b: {  	s6 =	sld [smem:$0x3FAC]  }
0x2c: {  	s7 =	sld [smem:$0x3FAD]  }
0x2d: {  	s3 =	simm.s32 $0x108;
	s8 =	sld [smem:$0x3FAE]  }
0x2e: {  	s3 =	simm.s32 @!p0 $0x1082;
	s9 =	sld [smem:$0x3FAF]  }
0x2f: {  	lr =	sadd.s32 s0, s3;
	s0 =	sld [smem:$0x3FA6]  }
0x30: {  	s3 =	sld [smem:$0x3FA9]  }
0x31: {  	[smem:$0x3FB2] =	sst s10  }
0x32: {  	s10 =	sld [smem:$0x3FB0];
	_ =	sdelay $0x3  }
0x33: {  	p0 =	seq.s32 s10, $0x1;
	s10 =	sld [smem:$0x3FB2];
	_ =	sdelay $0x3  }
0x34: {  	[smem:$0x3FB2] =	sst s10  }
0x35: {  	s10 =	sld [smem:$0x3FB1];
	_ =	sdelay $0x3  }
0x36: {  	p1 =	seq.s32 s10, $0x1;
	s10 =	sld [smem:$0x3FB2];
	_ =	sdelay $0x3  }
0x37: {  	[smem:$0x3FB2] =	sst s10  }
0x38: {  	s10 =	sld [smem:$0x3FB3]  }
0x39: {  	_ = 	snop;
	(pc) =	sbr.ind lr, $3  }
0x3a: {  	_ = 	snop  }
0x3b: {  	_ = 	snop  }
0x3c: {  	p2 =	seq.s32 s10, $0x1;
	s10 =	sld [smem:$0x3FB2]  }
0x3d: {  	_ =	shalt  }
0x3e: {  	_ =	shalt  }
0x3f: {  	_ =	shalt  }
0x40: {  	_ =	shalt  }
0x41: {  	_ =	shalt  }
0x42: {  	_ =	shalt  }
0x43: {  	_ =	shalt  }
0x44: {  	_ =	shalt  }
0x45: {  	_ =	shalt  }
0x46: {  	_ =	shalt  }
0x47: {  	_ =	shalt  }
0x48: {  	_ =	shalt  }
0x49: {  	_ =	shalt  }
0x4a: {  	_ =	shalt  }
0x4b: {  	_ =	shalt  }
0x4c: {  	_ =	shalt  }
0x4d: {  	_ =	shalt  }
0x4e: {  	_ =	shalt  }
0x4f: {  	_ =	shalt  }
0x50: {  	_ =	shalt  }
0x51: {  	_ =	shalt  }
0x52: {  	_ =	shalt  }
0x53: {  	_ =	shalt  }
0x54: {  	_ =	shalt  }
0x55: {  	_ =	shalt  }
0x56: {  	_ =	shalt  }
0x57: {  	_ =	shalt  }
0x58: {  	_ =	shalt  }
0x59: {  	_ =	shalt  }
0x5a: {  	_ =	shalt  }
0x5b: {  	_ =	shalt  }
0x5c: {  	_ =	shalt  }
0x5d: {  	_ =	shalt  }
0x5e: {  	_ =	shalt  }
0x5f: {  	_ =	shalt  }
0x60: {  	_ =	shalt  }
0x61: {  	_ =	shalt  }
0x62: {  	_ =	shalt  }
0x63: {  	_ =	shalt  }
0x64: {  	_ =	shalt  }
0x65: {  	_ =	shalt  }
0x66: {  	_ =	shalt  }
0x67: {  	_ =	shalt  }
0x68: {  	_ =	shalt  }
0x69: {  	_ =	shalt  }
0x6a: {  	_ =	shalt  }
0x6b: {  	_ =	shalt  }
0x6c: {  	_ =	shalt  }
0x6d: {  	_ =	shalt  }
0x6e: {  	_ =	shalt  }
0x6f: {  	_ =	shalt  }
0x70: {  	_ =	shalt  }
0x71: {  	_ =	shalt  }
0x72: {  	_ =	shalt  }
0x73: {  	_ =	shalt  }
0x74: {  	_ =	shalt  }
0x75: {  	_ =	shalt  }
0x76: {  	_ =	shalt  }
0x77: {  	_ =	shalt  }
0x78: {  	_ =	shalt  }
0x79: {  	_ =	shalt  }
0x7a: {  	_ =	shalt  }
0x7b: {  	_ =	shalt  }
0x7c: {  	_ =	shalt  }
0x7d: {  	_ =	shalt  }
0x7e: {  	_ =	shalt  }
0x7f: {  	_ =	shalt  }
0x80: {  	_ =	shalt  }
0x81: {  	_ =	shalt  }
0x82: {  	_ =	shalt  }
0x83: {  	_ =	shalt  }
0x84: {  	_ =	shalt  }
0x85: {  	_ =	shalt  }
0x86: {  	_ =	shalt  }
0x87: {  	_ =	shalt  }
.Lfunc_end0:
.L_simem_size_0:
called_computation_lowered:
.L_overlay_start_0:
0x88: {  	s2 =	sld [smem:$0x3FD9]  }
0x89: {  	s3 =	sld [smem:$0x3FFE];
	_ =	sdelay $0x1  }
0x8a: {  	s1 =	srdreg.scid  }
0x8b: {  	s0 =	sand.u32 $0x1, s1  }
0x8c: {  	s17 =	sshll.u32 s0, $0xA;
	s2 =	sadd.s32 s3, s2  }
0x8d: {  	s2 =	sadd.s32 s2, s17  }
0x8e: {  	[smem:$0x3FBE] =	sst s2  }
0x8f: {  	_ = 	snop  }
0x90: {  	s2 =	sld [smem:$0x3FC9]  }
0x91: {  	s18 =	sld [smem:$0x3FD0];
	(tm) =	ssettm $0x1  }
0x92: {  	s4 =	sld [smem:$0x3FFB];
	_ =	sdelay $0x3  }
0x93: {  	_ =	strace s4  }
0x94: {  	s4 =	sld [smem:$0x3FFC];
	_ =	sdelay $0x3  }
0x95: {  	_ =	strace s4  }
0x96: {  	s4 =	sld [smem:$0x3FFD];
	_ =	sdelay $0x3  }
0x97: {  	_ =	strace s4  }
0x98: {  	_ =	strace $0x8FFFFFFF  }
0x99: {  	s19 =	sld [smem:$0x3FDB];
	_ =	sdelay $0x1  }
0x9a: {  	s5 =	simm.s32 $_scs_section_size  }
0x9b: {  	s6 =	simm.s32 $_size__tile_overlayer_lowered;
	s7 =	simm.s32 $_tile_overlayer_lowered  }
0x9c: {  	s22 =	simm.s32 $0x1BFF;
	s21 =	sshll.u32 s7, $0x1;
	s4 =	sadd.s32 s5, s19  }
0x9d: {  	s8 =	simm.s32 $0x0;
	s20 =	sshll.u32 s6, $0x1;
	s6 =	sadd.s32 s21, s4  }
0x9e: {  	[timem:s8], [sflag:s22] =	dma.local [hbm:s6], s20  }
0x9f: {  	_ =	swait.ge [sflag:s22], s20  }
0xa0: {  	s5 =	ssub.s32 $0x0, s20;
	[sflag:s22] =	ssyncset.done $0x0  }
0xa1: {  	[sflag:s22] =	ssyncadd.s32 s5;
	_ =	sdelay $0x1  }
0xa2: {  	s23 =	simm.s32 $0x1B8B  }
0xa3: {  	_ =	swait.ge [sflag:s23], $0x1  }
0xa4: {  	[sflag:s23] =	ssyncset.done $0x0  }
0xa5: {  	s25 =	simm.s32 $0x1B8E;
	s24 =	sld [smem:$0x3FFE];
	[sflag:s23] =	ssyncadd.s32 $0xFFFFFFFF  }
0xa6: {  	s26 =	simm.s32 $execute0_lowered;
	[smem:$0x3FD2] =	sst s25  }
0xa7: {  	s6 =	sshll.u32 s26, $0x1;
	_ =	strace $0x80000046;
	[dreg:$0x1] =	wrdreg $0xFFFFFFFF  }
0xa8: {  	s28 =	simm.s32 $_size_execute0_lowered;
	s4 =	sadd.s32 s4, s6;
	[dreg:$0x0] =	wrdreg $0x0  }
0xa9: {  	s6 =	sshll.u32 s28, $0x1;
	[dreg:$0x2] =	wrdreg s4  }
0xaa: {  	[dreg:$0x3] =	wrdreg s6  }
0xab: {  	[dreg:$0x4] =	wrdreg $0xC0  }
0xac: {  	_ =	task [dreg:s8], $0x5FFFF  }
0xad: {  	[dreg:$0x1] =	wrdreg $0xFFFFFFFF  }
0xae: {  	[dreg:$0x0] =	wrdreg $0x60  }
0xaf: {  	[dreg:$0x2] =	wrdreg s18  }
0xb0: {  	[dreg:$0x3] =	wrdreg s24  }
0xb1: {  	[dreg:$0x4] =	wrdreg s2  }
0xb2: {  	[dreg:$0x5] =	wrdreg $0x82000  }
0xb3: {  	[dreg:$0x6] =	wrdreg $0x9  }
0xb4: {  	_ =	task.clear_ibuf [dreg:s8], $0x7FFFF;
	_ =	strace $0x90000046  }
0xb5: {  	s29 =	simm.s32 $0x9;
	_ =	strace $0x80000048  }
0xb6: {  	_ =	swait.ge [sflag:s29], $0x1  }
0xb7: {  	[sflag:s29] =	ssyncadd.s32 $0xFFFFFFFF  }
0xb8: {  	_ =	strace $0x90000048  }
0xb9: {  	_ =	sfence  }
0xba: {  	s30 =	sld [smem:$0x0];
	_ =	sdelay $0x2  }
0xbb: {  	s31 =	sshll.u32 s1, $0xD;
	s1 =	sshrl.u32 s1, $0x2  }
0xbc: {  	s3 =	sand.u32 $0x4000, s31;
	s1 =	sadd.s32 s1, s30  }
0xbd: {  	s0 =	sor.u32 s3, s0;
	s1 =	sshll.u32 s1, $0x11  }
0xbe: {  	s0 =	sor.u32 s1, s0  }
0xbf: {  	s0 =	sadd.s32 $0x8F2B, s0  }
0xc0: {  	[sflag:s0] =	ssyncadd.remote.s32 $0x1  }
0xc1: {  	_ =	sfence.sel $0xFFFF  }
0xc2: {  	[dreg:$0x0] =	wrdreg $0xFFFFFFFF;
	(pc) =	sbr.abs _section_cstart, $3  }
0xc3: {  	[dreg:$0x1] =	wrdreg $0xFFFFFFFF  }
0xc4: {  	_ =	task.clear_ibuf [dreg:s8], $0x2FFFF;
	_ =	strace $0x9FFFFFFF  }
0xc5: {  	(tm) =	ssettm $0x7FFFFFFF  }
tec
execute0_lowered:
.L_overlay_start_1:
0x0: {  	(tag) =	ssettag $0x1  }
0x1: {  	s14 =	rddreg [dreg:$0x0]  }
0x2: {  	s6 =	rddreg [dreg:$0x1]  }
0x3: {  	s1 =	rddreg [dreg:$0x2]  }
0x4: {  	s2 =	rddreg [dreg:$0x3]  }
0x5: {  	s0 =	rddreg [dreg:$0x4];
	s3 =	simm.s32 $0x0  }
0x6: {  	s5 =	srdreg.scid;
	s4 =	stileid.u32;
	s17 =	simm.s32 $0x100  }
0x7: {  	s18 =	simm.s32 $0x80;
	s19 =	simm.s32 $0x200;
	s20 =	simm.s32 $0x180  }
0x8: {  	s21 =	simm.s32 $0x4200;
	s22 =	simm.s32 $0x1;
	[smem:$0x7FF] =	sst s3  }
0x9: {  	s7 =	sand.u32 $0x1, s5;
	s23 =	sshll.u32 s4, $0x1;
	s12 =	smul.u32 $0x4F000, s4  }
0xa: {  	s13 =	sadd.s32 $0x1600, s6;
	s5 =	sadd.s32 $0xB600, s6;
	s15 =	smul.u32 $0x5000, s4  }
0xb: {  	p0 =	sne.s32 s4, $0x0;
	_ =	strace $0x80000047;
	s8 =	smul.u32 $0x27800, s7  }
0xc: {  	s9 =	sor.u32 s7, s23;
	s10 =	ssub.s32 $0x2, s7;
	s16 =	smul.u32 $0x2800, s7  }
0xd: {  	s9 =	smul.u32 $0x2800, s9;
	s24 =	sshrl.u32 s10, $0x1;
	s26 =	sshrl.u32 s12, $0x2  }
0xe: {  	s11 =	sadd.s32 s8, s6;
	s10 =	ssub.s32 s10, s24;
	s28 =	sadd.s32 s16, s15  }
0xf: {  	s24 =	smul.u32 $0x2780, s4;
	s15 =	sshrl.u32 @!p0 s2, $0x3;
	s25 =	sshrl.u32 s9, $0x3  }
0x10: {  	s23 =	sadd.s32 $0x32E00, s11;
	s29 =	sor.u32 $0x180, s28;
	s10 =	smax.u32 s10, $0x1  }
0x11: {  	s16 =	sor.u32 $0x100, s28;
	s6 =	sadd.s32 s14, s25;
	s9 =	sor.u32 $0x10, s25  }
0x12: {  	s7 =	sadd.s32 s13, s25;
	s25 =	sadd.s32 s26, s2;
	s30 =	sshrl.u32 s29, $0x3  }
0x13: {  	s31 =	sshrl.u32 s16, $0x3;
	s16 =	simm.s32 $0x3;
	s23 =	sadd.s32 s24, s23  }
0x14: {  	s24 =	simm.s32 $0x2;
	s26 =	simm.s32 $0x0;
	s8 =	sadd.s32 s14, s9  }
0x15: {  	s9 =	sadd.s32 s13, s9;
	s11 =	sadd.s32 s30, s13;
	s12 =	sadd.s32 s30, s14  }
0x16: {  	s13 =	sadd.s32 s31, s13;
	s14 =	sadd.s32 s31, s14;
	s25 =	sshrl.u32 s25, $0x3  }
.LBB2_1:
0x17: {  	s28 =	simm.s32 @!p0 $0x1C03  }
0x18: {  	[spmem:s15], [sflag:s28] =	dma.local @!p0 [hbm:s5], $0x27800  }
0x19: {  	s28 =	simm.s32 @!p0 $0x3  }
0x1a: {  	_ =	swait.ge @!p0 [sflag:s28], $0x27800  }
0x1b: {  	[sflag:s28] =	ssyncset.done @!p0 $0x0  }
0x1c: {  	[sflag:s28] =	ssyncadd.s32 @!p0 $0xFFFD8800  }
0x1d: {  	[bflag:$0x0] =	sbarrier.arrive $0xFFFF  }
0x1e: {  	[tilespmem:s3], [sflag:$0x3] =	stream.linear.gather [hbm4b:s6+s3], $0x80, $0x38;
	[tilespmem:$0x1BE00] =	vst v63  }
0x1f: {  	_ =	swait.ge [sflag:s16], $0x80  }
0x20: {  	[sflag:s16] =	ssyncset.done $0x0  }
0x21: {  	[sflag:s16] =	ssyncadd.s32 $0xFFFFFF80  }
0x22: {  	[tilespmem:s17], [sflag:$0x3] =	stream.linear.gather [hbm4b:s7+s3], $0x80, $0x38;
	[tilespmem:$0x1BE00] =	vst v63  }
0x23: {  	_ =	swait.ge [sflag:s16], $0x80  }
0x24: {  	[sflag:s16] =	ssyncset.done $0x0  }
0x25: {  	[sflag:s16] =	ssyncadd.s32 $0xFFFFFF80  }
0x26: {  	[tilespmem:s19], [sflag:$0x1] =	stream.indirect.gather [hbm4b:s1+s18], $0x80, s3, s18, $0xb8;
	[tilespmem:$0x1BE00] =	vst v63  }
0x27: {  	_ = 	snop  }
0x28: {  	[tilespmem:s18], [sflag:$0x3] =	stream.linear.gather [hbm4b:s8+s3], $0x80, $0x38;
	[tilespmem:$0x1BE00] =	vst v63  }
0x29: {  	_ =	swait.ge [sflag:s16], $0x80  }
0x2a: {  	[sflag:s16] =	ssyncset.done $0x0  }
0x2b: {  	[sflag:s16] =	ssyncadd.s32 $0xFFFFFF80  }
0x2c: {  	[tilespmem:s20], [sflag:$0x3] =	stream.linear.gather [hbm4b:s9+s3], $0x80, $0x38;
	[tilespmem:$0x1BE00] =	vst v63  }
0x2d: {  	_ =	swait.ge [sflag:s16], $0x80  }
0x2e: {  	[sflag:s16] =	ssyncset.done $0x0  }
0x2f: {  	[sflag:s16] =	ssyncadd.s32 $0xFFFFFF80  }
0x30: {  	[tilespmem:s21], [sflag:$0x2] =	stream.indirect.gather [hbm4b:s1+s18], $0x80, s18, s18, $0xb8;
	[tilespmem:$0x1BE00] =	vst v63  }
0x31: {  	_ =	swait.ge [sflag:s22], $0x4000  }
0x32: {  	[sflag:s22] =	ssyncset.done $0x0  }
0x33: {  	[sflag:s22] =	ssyncadd.s32 $0xFFFFC000  }
0x34: {  	[spmem:s2] =	stream.indirect.scatter.add.f32 [tilespmem:s19], [sflag:$0x3], $0x80, s17, s18, $0xb8;
	[tilespmem:$0x1BE00] =	vst v63  }
0x35: {  	_ =	swait.ge [sflag:s16], $0x4000  }
0x36: {  	[sflag:s16] =	ssyncset.done $0x0  }
0x37: {  	s28 =	sadd.s32 $0x0, s14;
	[sflag:s16] =	ssyncadd.s32 $0xFFFFC000  }
0x38: {  	[tilespmem:s3], [sflag:$0x3] =	stream.linear.gather [hbm4b:s28+s3], $0x80, $0x38;
	[tilespmem:$0x1BE00] =	vst v63  }
0x39: {  	_ =	swait.ge [sflag:s16], $0x80  }
0x3a: {  	[sflag:s16] =	ssyncset.done $0x0  }
0x3b: {  	s28 =	sadd.s32 $0x0, s13;
	[sflag:s16] =	ssyncadd.s32 $0xFFFFFF80  }
0x3c: {  	[tilespmem:s17], [sflag:$0x3] =	stream.linear.gather [hbm4b:s28+s3], $0x80, $0x38;
	[tilespmem:$0x1BE00] =	vst v63  }
0x3d: {  	_ =	swait.ge [sflag:s16], $0x80  }
0x3e: {  	[sflag:s16] =	ssyncset.done $0x0  }
0x3f: {  	[sflag:s16] =	ssyncadd.s32 $0xFFFFFF80  }
0x40: {  	[tilespmem:s19], [sflag:$0x1] =	stream.indirect.gather [hbm4b:s1+s18], $0x80, s3, s18, $0xb8;
	[tilespmem:$0x1BE00] =	vst v63  }
0x41: {  	_ =	swait.ge [sflag:s24], $0x4000  }
0x42: {  	[sflag:s24] =	ssyncset.done $0x0  }
0x43: {  	[sflag:s24] =	ssyncadd.s32 $0xFFFFC000  }
0x44: {  	[spmem:s2] =	stream.indirect.scatter.add.f32 [tilespmem:s21], [sflag:$0x3], $0x80, s20, s18, $0xb8;
	[tilespmem:$0x1BE00] =	vst v63  }
0x45: {  	_ =	swait.ge [sflag:s16], $0x4000  }
0x46: {  	[sflag:s16] =	ssyncset.done $0x0  }
0x47: {  	s28 =	sadd.s32 $0x0, s12;
	[sflag:s16] =	ssyncadd.s32 $0xFFFFC000  }
0x48: {  	[tilespmem:s18], [sflag:$0x3] =	stream.linear.gather [hbm4b:s28+s3], $0x80, $0x38;
	[tilespmem:$0x1BE00] =	vst v63  }
0x49: {  	_ =	swait.ge [sflag:s16], $0x80  }
0x4a: {  	[sflag:s16] =	ssyncset.done $0x0  }
0x4b: {  	s28 =	sadd.s32 $0x0, s11;
	[sflag:s16] =	ssyncadd.s32 $0xFFFFFF80  }
0x4c: {  	[tilespmem:s20], [sflag:$0x3] =	stream.linear.gather [hbm4b:s28+s3], $0x80, $0x38;
	[tilespmem:$0x1BE00] =	vst v63  }
0x4d: {  	_ =	swait.ge [sflag:s16], $0x80  }
0x4e: {  	[sflag:s16] =	ssyncset.done $0x0  }
0x4f: {  	s28 =	simm.s32 $0x20;
	[sflag:s16] =	ssyncadd.s32 $0xFFFFFF80  }
.LBB2_2:
0x50: {  	[tilespmem:s21], [sflag:$0x2] =	stream.indirect.gather [hbm4b:s1+s18], $0x80, s18, s18, $0xb8;
	[tilespmem:$0x1BE00] =	vst v63  }
0x51: {  	s29 =	smov.u32 s28  }
0x52: {  	p1 =	sne.s32 s28, $0x4C0;
	s28 =	sadd.s32 $0x20, s28;
	_ =	swait.ge [sflag:s22], $0x4000  }
0x53: {  	[sflag:s22] =	ssyncset.done $0x0  }
0x54: {  	[sflag:s22] =	ssyncadd.s32 $0xFFFFC000  }
0x55: {  	[spmem:s2] =	stream.indirect.scatter.add.f32 [tilespmem:s19], [sflag:$0x3], $0x80, s17, s18, $0xb8;
	[tilespmem:$0x1BE00] =	vst v63  }
0x56: {  	_ =	swait.ge [sflag:s16], $0x4000  }
0x57: {  	[sflag:s16] =	ssyncset.done $0x0  }
0x58: {  	s30 =	sadd.s32 s29, s14;
	[sflag:s16] =	ssyncadd.s32 $0xFFFFC000  }
0x59: {  	[tilespmem:s3], [sflag:$0x3] =	stream.linear.gather [hbm4b:s30+s3], $0x80, $0x38;
	[tilespmem:$0x1BE00] =	vst v63  }
0x5a: {  	_ =	swait.ge [sflag:s16], $0x80  }
0x5b: {  	[sflag:s16] =	ssyncset.done $0x0  }
0x5c: {  	s30 =	sadd.s32 s29, s13;
	[sflag:s16] =	ssyncadd.s32 $0xFFFFFF80  }
0x5d: {  	[tilespmem:s17], [sflag:$0x3] =	stream.linear.gather [hbm4b:s30+s3], $0x80, $0x38;
	[tilespmem:$0x1BE00] =	vst v63  }
0x5e: {  	_ =	swait.ge [sflag:s16], $0x80  }
0x5f: {  	[sflag:s16] =	ssyncset.done $0x0  }
0x60: {  	[sflag:s16] =	ssyncadd.s32 $0xFFFFFF80  }
0x61: {  	[tilespmem:s19], [sflag:$0x1] =	stream.indirect.gather [hbm4b:s1+s18], $0x80, s3, s18, $0xb8;
	[tilespmem:$0x1BE00] =	vst v63  }
0x62: {  	_ =	swait.ge [sflag:s24], $0x4000  }
0x63: {  	[sflag:s24] =	ssyncset.done $0x0  }
0x64: {  	[sflag:s24] =	ssyncadd.s32 $0xFFFFC000  }
0x65: {  	[spmem:s2] =	stream.indirect.scatter.add.f32 [tilespmem:s21], [sflag:$0x3], $0x80, s20, s18, $0xb8;
	[tilespmem:$0x1BE00] =	vst v63  }
0x66: {  	_ =	swait.ge [sflag:s16], $0x4000  }
0x67: {  	[sflag:s16] =	ssyncset.done $0x0  }
0x68: {  	s30 =	sadd.s32 s29, s12;
	[sflag:s16] =	ssyncadd.s32 $0xFFFFC000  }
0x69: {  	[tilespmem:s18], [sflag:$0x3] =	stream.linear.gather [hbm4b:s30+s3], $0x80, $0x38;
	[tilespmem:$0x1BE00] =	vst v63  }
0x6a: {  	_ =	swait.ge [sflag:s16], $0x80  }
0x6b: {  	[sflag:s16] =	ssyncset.done $0x0  }
.Ltmp0:
0x6c: {  	s29 =	sadd.s32 s29, s11;
	[sflag:s16] =	ssyncadd.s32 $0xFFFFFF80;
	(pc) =	sbr.rel @p1 .LBB2_2-.Ltmp0, $4  }
0x6d: {  	[tilespmem:s20], [sflag:$0x3] =	stream.linear.gather [hbm4b:s29+s3], $0x80, $0x38;
	[tilespmem:$0x1BE00] =	vst v63  }
0x6e: {  	_ =	swait.ge [sflag:s16], $0x80  }
0x6f: {  	[sflag:s16] =	ssyncset.done $0x0  }
0x70: {  	[sflag:s16] =	ssyncadd.s32 $0xFFFFFF80  }
0x71: {  	[tilespmem:s21], [sflag:$0x2] =	stream.indirect.gather [hbm4b:s1+s18], $0x80, s18, s18, $0xb8;
	[tilespmem:$0x1BE00] =	vst v63  }
0x72: {  	_ =	swait.ge [sflag:s22], $0x4000  }
0x73: {  	[sflag:s22] =	ssyncset.done $0x0  }
0x74: {  	[sflag:s22] =	ssyncadd.s32 $0xFFFFC000  }
0x75: {  	[spmem:s2] =	stream.indirect.scatter.add.f32 [tilespmem:s19], [sflag:$0x3], $0x80, s17, s18, $0xb8;
	[tilespmem:$0x1BE00] =	vst v63  }
0x76: {  	_ =	swait.ge [sflag:s16], $0x4000  }
0x77: {  	[sflag:s16] =	ssyncset.done $0x0  }
0x78: {  	[sflag:s16] =	ssyncadd.s32 $0xFFFFC000  }
0x79: {  	_ =	swait.ge [sflag:s24], $0x4000  }
0x7a: {  	[sflag:s24] =	ssyncset.done $0x0  }
0x7b: {  	[sflag:s24] =	ssyncadd.s32 $0xFFFFC000  }
0x7c: {  	[spmem:s2] =	stream.indirect.scatter.add.f32 [tilespmem:s21], [sflag:$0x3], $0x80, s20, s18, $0xb8;
	[tilespmem:$0x1BE00] =	vst v63  }
0x7d: {  	_ =	swait.ge [sflag:s16], $0x4000  }
0x7e: {  	s26 =	sadd.s32 $0x1, s26;
	[sflag:s16] =	ssyncset.done $0x0  }
0x7f: {  	s28 =	sshll.u32 s4, $0x6;
	p1 =	sne.s32 s26, s10;
	[sflag:s16] =	ssyncadd.s32 $0xFFFFC000  }
.Ltmp1:
0x80: {  	s28 =	sor.u32 $0x1C03, s28;
	[bflag:$0x0] =	sbarrier.arrive $0xFFFF;
	(pc) =	sbr.rel @p1 .LBB2_1-.Ltmp1, $4  }
0x81: {  	[hbm:s23], [sflag:s28] =	dma.local [spmem:s25], $0x2780  }
0x82: {  	_ =	swait.ge [sflag:s16], $0x2780  }
0x83: {  	[sflag:s16] =	ssyncset.done $0x0  }
0x84: {  	[sflag:s16] =	ssyncadd.s32 $0xFFFFD880  }
0x85: {  	_ =	sfence.sel $0x180000  }
0x86: {  	[bflag:$0x0] =	sbarrier.arrive $0xFFFF  }
0x87: {  	_ =	strace $0x90000047  }
0x88: {  	s0 =	sadd.s32 @!p0 $0x100000, s0;
	[bflag:$0x2] =	sbarrier.arrive $0xFFFF  }
0x89: {  	[sflag:s0] =	ssyncadd.tile.s32 @!p0 $0x1;
	_ =	shalt  }
.Lfunc_end2:
_tile_overlayer_lowered:
.L_overlay_start_2:
0x8a: {  	(tag) =	ssettag $0x2  }
0x8b: {  	s0 =	rddreg [dreg:$0x0];
	s2 =	stileid.u32  }
0x8c: {  	s1 =	rddreg [dreg:$0x1];
	p0 =	sne.s32 s2, $0x0  }
0x8d: {  	s3 =	rddreg [dreg:$0x2];
	[bflag:$0x3] =	sbarrier.arrive $0xFFFF;
	s2 =	simm.s32 @!p0 $0x1C03  }
0x8e: {  	[timem:s3], [sflag:s2] =	dma.local @!p0 [hbm:s0], s1  }
0x8f: {  	s0 =	simm.s32 @!p0 $0x3  }
0x90: {  	_ =	swait.ge @!p0 [sflag:s0], s1  }
0x91: {  	s1 =	ssub.s32 @!p0 $0x0, s1;
	[sflag:s0] =	ssyncset.done @!p0 $0x0  }
0x92: {  	[sflag:s0] =	ssyncadd.s32 @!p0 s1  }
0x93: {  	[bflag:$0x3] =	sbarrier.arrive $0xFFFF  }
0x94: {  	_ =	shalt  }

</sc_bundles>
